<compile_context>
chip_gen: v7x
topology: tpu7x:2x2x1
jax: 0.10.2.dev20260603
libtpu: 0.0.44.dev20260713+nightly
codegen_flags: <defaults>
</compile_context>

<pallas_src>
import functools
import jax
import jax.numpy as jnp
from jax import lax
from jax.experimental import pallas as pl
from jax.experimental.pallas import tpu as pltpu
from jax.experimental.pallas import tpu_sc as plsc

_ROW_BLOCK = 1024
_ALPHA = 5.0
_BIG = 3.0e38
_L = 16


def _dist_kernel(rows_ref, sq_ref, all_ref, out_ref):
    rows = rows_ref[0]
    brow = rows.astype(jnp.bfloat16)
    brow2 = brow + brow
    ball = all_ref[0].astype(jnp.bfloat16)
    g2 = jax.lax.dot_general(
        brow2, ball, (((1,), (1,)), ((), ())),
        preferred_element_type=jnp.float32)
    sqr = (rows[:, 0:1] * rows[:, 0:1] + rows[:, 1:2] * rows[:, 1:2]
           + rows[:, 2:3] * rows[:, 2:3])
    sqc = sq_ref[0]
    w = g2.shape[1] // 2
    d2a = (sqr + sqc[:, :w]) - g2[:, :w]
    d2b = (sqr + sqc[:, w:]) - g2[:, w:]
    m1v = jnp.minimum(d2a, d2b)
    m2v = jnp.maximum(d2a, d2b)
    w //= 2
    while w >= 128:
        a1, b1 = m1v[:, :w], m1v[:, w:]
        a2, b2 = m2v[:, :w], m2v[:, w:]
        nhi = jnp.maximum(a1, b1)
        m1v = jnp.minimum(a1, b1)
        m2v = jnp.minimum(jnp.minimum(a2, b2), nhi)
        w //= 2
    m1 = jnp.min(m1v, axis=1, keepdims=True)
    eqv = m1v == m1
    cntv = jnp.sum(jnp.where(eqv, 1.0, 0.0), axis=1, keepdims=True)
    gtv = jnp.min(jnp.where(eqv, _BIG, m1v), axis=1, keepdims=True)
    partner = jnp.min(jnp.where(eqv, m2v, _BIG), axis=1, keepdims=True)
    sec = jnp.where(cntv >= 2.0, m1, gtv)
    m2 = jnp.minimum(sec, partner)
    dist = jnp.sqrt(jnp.maximum(m1, 1e-12)) + jnp.sqrt(jnp.maximum(m2, 1e-12))
    out_ref[0] = dist


def _sc_loss(dist_hbm, out_hbm, dist_v, rot_v, out_v, *, B, N):
    wid = lax.axis_index("s") * 2 + lax.axis_index("c")

    def allreduce(a):
        for k in (1, 2, 4, 8):
            rot_v[pl.ds(0, _L)] = a
            rot_v[pl.ds(_L, _L)] = a
            a = a + rot_v[pl.ds(k, _L)]
        return a

    @pl.when(wid == 0)
    def _():
        pltpu.sync_copy(dist_hbm, dist_v)
        nchunk = N // _L
        total = jnp.zeros((_L,), jnp.float32)
        for b in range(B):
            base = b * N

            def sum_body(i, acc):
                a = acc
                for j in range(4):
                    a = a + dist_v[pl.ds(base + (i * 4 + j) * _L, _L)]
                return a
            acc = lax.fori_loop(0, nchunk // 4, sum_body,
                                jnp.zeros((_L,), jnp.float32))
            thr = allreduce(acc) * (_ALPHA / N)

            def mask_body(i, acc2):
                a = acc2
                for j in range(4):
                    v = dist_v[pl.ds(base + (i * 4 + j) * _L, _L)]
                    a = a + jnp.where(v > thr, v, 0.0)
                return a
            total = total + lax.fori_loop(0, nchunk // 4, mask_body,
                                          jnp.zeros((_L,), jnp.float32))
        out_v[...] = allreduce(total)
        pltpu.sync_copy(out_v, out_hbm)


def kernel(xyz):
    B, N, _ = xyz.shape
    R = _ROW_BLOCK
    sq = jnp.sum(xyz * xyz, axis=-1)[:, None, :]
    dist = pl.pallas_call(
        _dist_kernel,
        grid=(B, N // R),
        in_specs=[
            pl.BlockSpec((1, R, 3), lambda b, i: (b, i, 0)),
            pl.BlockSpec((1, 1, N), lambda b, i: (b, 0, 0)),
            pl.BlockSpec((1, N, 3), lambda b, i: (b, 0, 0)),
        ],
        out_specs=pl.BlockSpec((1, R, 1), lambda b, i: (b, i, 0)),
        out_shape=jax.ShapeDtypeStruct((B, N, 1), jnp.float32),
    )(xyz, sq, xyz)

    mesh = plsc.VectorSubcoreMesh(core_axis_name="c", subcore_axis_name="s")
    loss_fn = functools.partial(
        pl.kernel,
        mesh=mesh,
        out_type=jax.ShapeDtypeStruct((_L,), jnp.float32),
        scratch_types=[
            pltpu.VMEM((B * N,), jnp.float32),
            pltpu.VMEM((2 * _L,), jnp.float32),
            pltpu.VMEM((_L,), jnp.float32),
        ],
    )(functools.partial(_sc_loss, B=B, N=N))
    loss = loss_fn(dist.reshape(B * N))
    return loss[0]

# --- scband reference (transcript-rebuilt; emitter-appended) ---
"""Pipeline reference for scband-nearest-distance-loss-11682311045894 (READ-ONLY COPY).

The authoritative reference and input builder live on the scoring server;
editing this copy changes nothing except your own understanding.
"""

import jax, jax.numpy as jnp
import numpy as np


def setup_inputs(seed: int = 0) -> dict:
    key = jax.random.key(seed)
    xyz = jax.random.normal(key, (2, 4096, 3), dtype=jnp.float32)
    return {"xyz": xyz}


def _knn(xyz, k):
    # brute-force kNN of xyz against itself (equivalent of pointops.knn)
    sq = jnp.sum(xyz * xyz, axis=-1)  # [B, N]
    d2 = sq[:, :, None] + sq[:, None, :] - 2.0 * jnp.einsum('bnd,bmd->bnm', xyz, xyz)  # [B, N, N]
    neg_d2_k, idx = jax.lax.top_k(-d2, k)  # k smallest squared distances
    dist = jnp.sqrt(jnp.maximum(-neg_d2_k, 1e-12))  # euclidean distances [B, N, k]
    return idx, dist


def reference(xyz):
    nbr_size = 2
    alpha = 5.0
    idx, dist = _knn(xyz, nbr_size)
    dist = dist.sum(-1)  # [B, N]
    avg_dist = dist.mean(-1, keepdims=True)  # [B, 1]
    # loss = dist[dist > avg_dist * alpha].sum() -> mask-and-sum (same math)
    loss = jnp.where(dist > avg_dist * alpha, dist, 0.0).sum()
    return loss

if __name__ == "__main__":
    import jax
    _d = setup_inputs()
    print(jax.jit(kernel)(*tuple(_d.values())))

</pallas_src>

<mosaic_0001>
#map = affine_map<(d0, d1) -> (0)>
module attributes {stable_mosaic.version = 14 : i64} {
  func.func @_sc_loss(%arg0: i32, %arg1: i32, %arg2: memref<8192xf32, #tpu.memory_space<hbm>>, %arg3: memref<16xf32, #tpu.memory_space<hbm>>, %arg4: memref<8192xf32, #tpu.memory_space<vmem>>, %arg5: memref<32xf32, #tpu.memory_space<vmem>>, %arg6: memref<16xf32, #tpu.memory_space<vmem>>) attributes {dimension_semantics = [#tpu.dimension_semantics<core_parallel>, #tpu.dimension_semantics<subcore_parallel>], iteration_bounds = array<i64: 2, 16>, scalar_prefetch = 0 : i64, scratch_operands = 3 : i64, tpu.core_type = #tpu.core_type<sc_vector_subcore>, window_params = [{transform_indices = #map}, {transform_indices = #map}]} {
    %mul3A = arith.constant 2 : i32
    %mul3A_0 = arith.muli %arg1, %mul3A : i32
    %add3A = arith.addi %mul3A_0, %arg0 : i32
    %eq3A = arith.constant 0 : i32
    %eq3A_1 = arith.cmpi eq, %add3A, %eq3A : i32
    %convert_element_type3A = arith.extui %eq3A_1 : i1 to i32
    %cond3A = arith.constant 0 : i32
    %cond3A_2 = arith.cmpi ne, %convert_element_type3A, %cond3A : i32
    scf.if %cond3A_2 {
      "tpu.region"() ({
        %run_scoped3A = tpu.sem_alloc : memref<!tpu.dma_semaphore, #tpu.memory_space<semaphore_mem>>
        tpu.enqueue_dma source(%arg2 : memref<8192xf32, #tpu.memory_space<hbm>>) target(%arg4 : memref<8192xf32, #tpu.memory_space<vmem>>) target_semaphore(%run_scoped3A : memref<!tpu.dma_semaphore, #tpu.memory_space<semaphore_mem>>)
        tpu.wait_dma2 semaphore(%run_scoped3A : memref<!tpu.dma_semaphore, #tpu.memory_space<semaphore_mem>>) src(%arg2 : memref<8192xf32, #tpu.memory_space<hbm>>) dst(%arg4 : memref<8192xf32, #tpu.memory_space<vmem>>)
        tpu.yield
      }) : () -> ()
      %broadcast_in_dim3A = arith.constant 0.000000e+00 : f32
      %broadcast_in_dim3A_3 = vector.broadcast %broadcast_in_dim3A : f32 to vector<16xf32>
      %broadcast_in_dim3A_4 = arith.constant 0.000000e+00 : f32
      %broadcast_in_dim3A_5 = vector.broadcast %broadcast_in_dim3A_4 : f32 to vector<16xf32>
      %scan3A = arith.constant 0 : i32
      %scan3A_6 = arith.constant 64 : i32
      %scan3A_7 = arith.addi %scan3A, %scan3A_6 : i32
      %scan3A_8 = arith.constant 1 : i32
      %scan3A_9 = scf.for %scan3A_189 = %scan3A to %scan3A_7 step %scan3A_8 iter_args(%scan3A_190 = %broadcast_in_dim3A_5) -> (vector<16xf32>)  : i32 {
        %mul3A_191 = arith.constant 4 : i32
        %mul3A_192 = arith.muli %scan3A_189, %mul3A_191 : i32
        %add3A_193 = arith.constant 0 : i32
        %add3A_194 = arith.addi %mul3A_192, %add3A_193 : i32
        %mul3A_195 = arith.constant 16 : i32
        %mul3A_196 = arith.muli %add3A_194, %mul3A_195 : i32
        %add3A_197 = arith.constant 0 : i32
        %add3A_198 = arith.addi %add3A_197, %mul3A_196 : i32
        %get3A_199 = arith.index_cast %add3A_198 : i32 to index
        %get3A_200 = tpu.vector_load %arg4[%get3A_199] {strides = array<i32>} : memref<8192xf32, #tpu.memory_space<vmem>>, vector<16xf32>,
        %get3A_201 = vector.shape_cast %get3A_200 : vector<16xf32> to vector<16xf32>
        %add3A_202 = arith.addf %scan3A_190, %get3A_201 : vector<16xf32>
        %mul3A_203 = arith.constant 4 : i32
        %mul3A_204 = arith.muli %scan3A_189, %mul3A_203 : i32
        %add3A_205 = arith.constant 1 : i32
        %add3A_206 = arith.addi %mul3A_204, %add3A_205 : i32
        %mul3A_207 = arith.constant 16 : i32
        %mul3A_208 = arith.muli %add3A_206, %mul3A_207 : i32
        %add3A_209 = arith.constant 0 : i32
        %add3A_210 = arith.addi %add3A_209, %mul3A_208 : i32
        %get3A_211 = arith.index_cast %add3A_210 : i32 to index
        %get3A_212 = tpu.vector_load %arg4[%get3A_211] {strides = array<i32>} : memref<8192xf32, #tpu.memory_space<vmem>>, vector<16xf32>,
        %get3A_213 = vector.shape_cast %get3A_212 : vector<16xf32> to vector<16xf32>
        %add3A_214 = arith.addf %add3A_202, %get3A_213 : vector<16xf32>
        %mul3A_215 = arith.constant 4 : i32
        %mul3A_216 = arith.muli %scan3A_189, %mul3A_215 : i32
        %add3A_217 = arith.constant 2 : i32
        %add3A_218 = arith.addi %mul3A_216, %add3A_217 : i32
        %mul3A_219 = arith.constant 16 : i32
        %mul3A_220 = arith.muli %add3A_218, %mul3A_219 : i32
        %add3A_221 = arith.constant 0 : i32
        %add3A_222 = arith.addi %add3A_221, %mul3A_220 : i32
        %get3A_223 = arith.index_cast %add3A_222 : i32 to index
        %get3A_224 = tpu.vector_load %arg4[%get3A_223] {strides = array<i32>} : memref<8192xf32, #tpu.memory_space<vmem>>, vector<16xf32>,
        %get3A_225 = vector.shape_cast %get3A_224 : vector<16xf32> to vector<16xf32>
        %add3A_226 = arith.addf %add3A_214, %get3A_225 : vector<16xf32>
        %mul3A_227 = arith.constant 4 : i32
        %mul3A_228 = arith.muli %scan3A_189, %mul3A_227 : i32
        %add3A_229 = arith.constant 3 : i32
        %add3A_230 = arith.addi %mul3A_228, %add3A_229 : i32
        %mul3A_231 = arith.constant 16 : i32
        %mul3A_232 = arith.muli %add3A_230, %mul3A_231 : i32
        %add3A_233 = arith.constant 0 : i32
        %add3A_234 = arith.addi %add3A_233, %mul3A_232 : i32
        %get3A_235 = arith.index_cast %add3A_234 : i32 to index
        %get3A_236 = tpu.vector_load %arg4[%get3A_235] {strides = array<i32>} : memref<8192xf32, #tpu.memory_space<vmem>>, vector<16xf32>,
        %get3A_237 = vector.shape_cast %get3A_236 : vector<16xf32> to vector<16xf32>
        %add3A_238 = arith.addf %add3A_226, %get3A_237 : vector<16xf32>
        scf.yield %add3A_238 : vector<16xf32>
      }
      %scan3A_10 = arith.constant 64 : i32
      %swap3A = arith.constant 0 : index
      %swap3A_11 = tpu.vector_load %arg5[%swap3A] {strides = array<i32>} : memref<32xf32, #tpu.memory_space<vmem>>, vector<16xf32>,
      %swap3A_12 = vector.shape_cast %swap3A_11 : vector<16xf32> to vector<16xf32>
      %swap3A_13 = vector.shape_cast %scan3A_9 : vector<16xf32> to vector<16xf32>
      tpu.vector_store %arg5[%swap3A], %swap3A_13 {strides = array<i32>} : memref<32xf32, #tpu.memory_space<vmem>>, vector<16xf32>,
      %swap3A_14 = arith.constant 16 : index
      %swap3A_15 = tpu.vector_load %arg5[%swap3A_14] {strides = array<i32>} : memref<32xf32, #tpu.memory_space<vmem>>, vector<16xf32>,
      %swap3A_16 = vector.shape_cast %swap3A_15 : vector<16xf32> to vector<16xf32>
      %swap3A_17 = vector.shape_cast %scan3A_9 : vector<16xf32> to vector<16xf32>
      tpu.vector_store %arg5[%swap3A_14], %swap3A_17 {strides = array<i32>} : memref<32xf32, #tpu.memory_space<vmem>>, vector<16xf32>,
      %get3A = arith.constant 1 : index
      %get3A_18 = tpu.vector_load %arg5[%get3A] {strides = array<i32>} : memref<32xf32, #tpu.memory_space<vmem>>, vector<16xf32>,
      %get3A_19 = vector.shape_cast %get3A_18 : vector<16xf32> to vector<16xf32>
      %add3A_20 = arith.addf %scan3A_9, %get3A_19 : vector<16xf32>
      %swap3A_21 = arith.constant 0 : index
      %swap3A_22 = tpu.vector_load %arg5[%swap3A_21] {strides = array<i32>} : memref<32xf32, #tpu.memory_space<vmem>>, vector<16xf32>,
      %swap3A_23 = vector.shape_cast %swap3A_22 : vector<16xf32> to vector<16xf32>
      %swap3A_24 = vector.shape_cast %add3A_20 : vector<16xf32> to vector<16xf32>
      tpu.vector_store %arg5[%swap3A_21], %swap3A_24 {strides = array<i32>} : memref<32xf32, #tpu.memory_space<vmem>>, vector<16xf32>,
      %swap3A_25 = arith.constant 16 : index
      %swap3A_26 = tpu.vector_load %arg5[%swap3A_25] {strides = array<i32>} : memref<32xf32, #tpu.memory_space<vmem>>, vector<16xf32>,
      %swap3A_27 = vector.shape_cast %swap3A_26 : vector<16xf32> to vector<16xf32>
      %swap3A_28 = vector.shape_cast %add3A_20 : vector<16xf32> to vector<16xf32>
      tpu.vector_store %arg5[%swap3A_25], %swap3A_28 {strides = array<i32>} : memref<32xf32, #tpu.memory_space<vmem>>, vector<16xf32>,
      %get3A_29 = arith.constant 2 : index
      %get3A_30 = tpu.vector_load %arg5[%get3A_29] {strides = array<i32>} : memref<32xf32, #tpu.memory_space<vmem>>, vector<16xf32>,
      %get3A_31 = vector.shape_cast %get3A_30 : vector<16xf32> to vector<16xf32>
      %add3A_32 = arith.addf %add3A_20, %get3A_31 : vector<16xf32>
      %swap3A_33 = arith.constant 0 : index
      %swap3A_34 = tpu.vector_load %arg5[%swap3A_33] {strides = array<i32>} : memref<32xf32, #tpu.memory_space<vmem>>, vector<16xf32>,
      %swap3A_35 = vector.shape_cast %swap3A_34 : vector<16xf32> to vector<16xf32>
      %swap3A_36 = vector.shape_cast %add3A_32 : vector<16xf32> to vector<16xf32>
      tpu.vector_store %arg5[%swap3A_33], %swap3A_36 {strides = array<i32>} : memref<32xf32, #tpu.memory_space<vmem>>, vector<16xf32>,
      %swap3A_37 = arith.constant 16 : index
      %swap3A_38 = tpu.vector_load %arg5[%swap3A_37] {strides = array<i32>} : memref<32xf32, #tpu.memory_space<vmem>>, vector<16xf32>,
      %swap3A_39 = vector.shape_cast %swap3A_38 : vector<16xf32> to vector<16xf32>
      %swap3A_40 = vector.shape_cast %add3A_32 : vector<16xf32> to vector<16xf32>
      tpu.vector_store %arg5[%swap3A_37], %swap3A_40 {strides = array<i32>} : memref<32xf32, #tpu.memory_space<vmem>>, vector<16xf32>,
      %get3A_41 = arith.constant 4 : index
      %get3A_42 = tpu.vector_load %arg5[%get3A_41] {strides = array<i32>} : memref<32xf32, #tpu.memory_space<vmem>>, vector<16xf32>,
      %get3A_43 = vector.shape_cast %get3A_42 : vector<16xf32> to vector<16xf32>
      %add3A_44 = arith.addf %add3A_32, %get3A_43 : vector<16xf32>
      %swap3A_45 = arith.constant 0 : index
      %swap3A_46 = tpu.vector_load %arg5[%swap3A_45] {strides = array<i32>} : memref<32xf32, #tpu.memory_space<vmem>>, vector<16xf32>,
      %swap3A_47 = vector.shape_cast %swap3A_46 : vector<16xf32> to vector<16xf32>
      %swap3A_48 = vector.shape_cast %add3A_44 : vector<16xf32> to vector<16xf32>
      tpu.vector_store %arg5[%swap3A_45], %swap3A_48 {strides = array<i32>} : memref<32xf32, #tpu.memory_space<vmem>>, vector<16xf32>,
      %swap3A_49 = arith.constant 16 : index
      %swap3A_50 = tpu.vector_load %arg5[%swap3A_49] {strides = array<i32>} : memref<32xf32, #tpu.memory_space<vmem>>, vector<16xf32>,
      %swap3A_51 = vector.shape_cast %swap3A_50 : vector<16xf32> to vector<16xf32>
      %swap3A_52 = vector.shape_cast %add3A_44 : vector<16xf32> to vector<16xf32>
      tpu.vector_store %arg5[%swap3A_49], %swap3A_52 {strides = array<i32>} : memref<32xf32, #tpu.memory_space<vmem>>, vector<16xf32>,
      %get3A_53 = arith.constant 8 : index
      %get3A_54 = tpu.vector_load %arg5[%get3A_53] {strides = array<i32>} : memref<32xf32, #tpu.memory_space<vmem>>, vector<16xf32>,
      %get3A_55 = vector.shape_cast %get3A_54 : vector<16xf32> to vector<16xf32>
      %add3A_56 = arith.addf %add3A_44, %get3A_55 : vector<16xf32>
      %mul3A_57 = arith.constant 0.00122070313 : f32
      %mul3A_58 = vector.broadcast %mul3A_57 : f32 to vector<16xf32>
      %mul3A_59 = arith.mulf %add3A_56, %mul3A_58 : vector<16xf32>
      %broadcast_in_dim3A_60 = arith.constant 0.000000e+00 : f32
      %broadcast_in_dim3A_61 = vector.broadcast %broadcast_in_dim3A_60 : f32 to vector<16xf32>
      %scan3A_62 = arith.constant 0 : i32
      %scan3A_63 = arith.constant 64 : i32
      %scan3A_64 = arith.addi %scan3A_62, %scan3A_63 : i32
      %scan3A_65 = arith.constant 1 : i32
      %scan3A_66 = scf.for %scan3A_189 = %scan3A_62 to %scan3A_64 step %scan3A_65 iter_args(%scan3A_190 = %broadcast_in_dim3A_61) -> (vector<16xf32>)  : i32 {
        %mul3A_191 = arith.constant 4 : i32
        %mul3A_192 = arith.muli %scan3A_189, %mul3A_191 : i32
        %add3A_193 = arith.constant 0 : i32
        %add3A_194 = arith.addi %mul3A_192, %add3A_193 : i32
        %mul3A_195 = arith.constant 16 : i32
        %mul3A_196 = arith.muli %add3A_194, %mul3A_195 : i32
        %add3A_197 = arith.constant 0 : i32
        %add3A_198 = arith.addi %add3A_197, %mul3A_196 : i32
        %get3A_199 = arith.index_cast %add3A_198 : i32 to index
        %get3A_200 = tpu.vector_load %arg4[%get3A_199] {strides = array<i32>} : memref<8192xf32, #tpu.memory_space<vmem>>, vector<16xf32>,
        %get3A_201 = vector.shape_cast %get3A_200 : vector<16xf32> to vector<16xf32>
        %gt3A = arith.cmpf ogt, %get3A_201, %mul3A_59 : vector<16xf32>
        %jit3A = arith.constant 0.000000e+00 : f32
        %broadcast_in_dim3A_202 = vector.broadcast %jit3A : f32 to vector<16xf32>
        %select_n3A = arith.select %gt3A, %get3A_201, %broadcast_in_dim3A_202 : vector<16xi1>, vector<16xf32>
        %add3A_203 = arith.addf %scan3A_190, %select_n3A : vector<16xf32>
        %mul3A_204 = arith.constant 4 : i32
        %mul3A_205 = arith.muli %scan3A_189, %mul3A_204 : i32
        %add3A_206 = arith.constant 1 : i32
        %add3A_207 = arith.addi %mul3A_205, %add3A_206 : i32
        %mul3A_208 = arith.constant 16 : i32
        %mul3A_209 = arith.muli %add3A_207, %mul3A_208 : i32
        %add3A_210 = arith.constant 0 : i32
        %add3A_211 = arith.addi %add3A_210, %mul3A_209 : i32
        %get3A_212 = arith.index_cast %add3A_211 : i32 to index
        %get3A_213 = tpu.vector_load %arg4[%get3A_212] {strides = array<i32>} : memref<8192xf32, #tpu.memory_space<vmem>>, vector<16xf32>,
        %get3A_214 = vector.shape_cast %get3A_213 : vector<16xf32> to vector<16xf32>
        %gt3A_215 = arith.cmpf ogt, %get3A_214, %mul3A_59 : vector<16xf32>
        %jit3A_216 = arith.constant 0.000000e+00 : f32
        %broadcast_in_dim3A_217 = vector.broadcast %jit3A_216 : f32 to vector<16xf32>
        %select_n3A_218 = arith.select %gt3A_215, %get3A_214, %broadcast_in_dim3A_217 : vector<16xi1>, vector<16xf32>
        %add3A_219 = arith.addf %add3A_203, %select_n3A_218 : vector<16xf32>
        %mul3A_220 = arith.constant 4 : i32
        %mul3A_221 = arith.muli %scan3A_189, %mul3A_220 : i32
        %add3A_222 = arith.constant 2 : i32
        %add3A_223 = arith.addi %mul3A_221, %add3A_222 : i32
        %mul3A_224 = arith.constant 16 : i32
        %mul3A_225 = arith.muli %add3A_223, %mul3A_224 : i32
        %add3A_226 = arith.constant 0 : i32
        %add3A_227 = arith.addi %add3A_226, %mul3A_225 : i32
        %get3A_228 = arith.index_cast %add3A_227 : i32 to index
        %get3A_229 = tpu.vector_load %arg4[%get3A_228] {strides = array<i32>} : memref<8192xf32, #tpu.memory_space<vmem>>, vector<16xf32>,
        %get3A_230 = vector.shape_cast %get3A_229 : vector<16xf32> to vector<16xf32>
        %gt3A_231 = arith.cmpf ogt, %get3A_230, %mul3A_59 : vector<16xf32>
        %jit3A_232 = arith.constant 0.000000e+00 : f32
        %broadcast_in_dim3A_233 = vector.broadcast %jit3A_232 : f32 to vector<16xf32>
        %select_n3A_234 = arith.select %gt3A_231, %get3A_230, %broadcast_in_dim3A_233 : vector<16xi1>, vector<16xf32>
        %add3A_235 = arith.addf %add3A_219, %select_n3A_234 : vector<16xf32>
        %mul3A_236 = arith.constant 4 : i32
        %mul3A_237 = arith.muli %scan3A_189, %mul3A_236 : i32
        %add3A_238 = arith.constant 3 : i32
        %add3A_239 = arith.addi %mul3A_237, %add3A_238 : i32
        %mul3A_240 = arith.constant 16 : i32
        %mul3A_241 = arith.muli %add3A_239, %mul3A_240 : i32
        %add3A_242 = arith.constant 0 : i32
        %add3A_243 = arith.addi %add3A_242, %mul3A_241 : i32
        %get3A_244 = arith.index_cast %add3A_243 : i32 to index
        %get3A_245 = tpu.vector_load %arg4[%get3A_244] {strides = array<i32>} : memref<8192xf32, #tpu.memory_space<vmem>>, vector<16xf32>,
        %get3A_246 = vector.shape_cast %get3A_245 : vector<16xf32> to vector<16xf32>
        %gt3A_247 = arith.cmpf ogt, %get3A_246, %mul3A_59 : vector<16xf32>
        %jit3A_248 = arith.constant 0.000000e+00 : f32
        %broadcast_in_dim3A_249 = vector.broadcast %jit3A_248 : f32 to vector<16xf32>
        %select_n3A_250 = arith.select %gt3A_247, %get3A_246, %broadcast_in_dim3A_249 : vector<16xi1>, vector<16xf32>
        %add3A_251 = arith.addf %add3A_235, %select_n3A_250 : vector<16xf32>
        scf.yield %add3A_251 : vector<16xf32>
      }
      %scan3A_67 = arith.constant 64 : i32
      %add3A_68 = arith.addf %broadcast_in_dim3A_3, %scan3A_66 : vector<16xf32>
      %broadcast_in_dim3A_69 = arith.constant 0.000000e+00 : f32
      %broadcast_in_dim3A_70 = vector.broadcast %broadcast_in_dim3A_69 : f32 to vector<16xf32>
      %scan3A_71 = arith.constant 0 : i32
      %scan3A_72 = arith.constant 64 : i32
      %scan3A_73 = arith.addi %scan3A_71, %scan3A_72 : i32
      %scan3A_74 = arith.constant 1 : i32
      %scan3A_75 = scf.for %scan3A_189 = %scan3A_71 to %scan3A_73 step %scan3A_74 iter_args(%scan3A_190 = %broadcast_in_dim3A_70) -> (vector<16xf32>)  : i32 {
        %mul3A_191 = arith.constant 4 : i32
        %mul3A_192 = arith.muli %scan3A_189, %mul3A_191 : i32
        %add3A_193 = arith.constant 0 : i32
        %add3A_194 = arith.addi %mul3A_192, %add3A_193 : i32
        %mul3A_195 = arith.constant 16 : i32
        %mul3A_196 = arith.muli %add3A_194, %mul3A_195 : i32
        %add3A_197 = arith.constant 4096 : i32
        %add3A_198 = arith.addi %add3A_197, %mul3A_196 : i32
        %get3A_199 = arith.index_cast %add3A_198 : i32 to index
        %get3A_200 = tpu.vector_load %arg4[%get3A_199] {strides = array<i32>} : memref<8192xf32, #tpu.memory_space<vmem>>, vector<16xf32>,
        %get3A_201 = vector.shape_cast %get3A_200 : vector<16xf32> to vector<16xf32>
        %add3A_202 = arith.addf %scan3A_190, %get3A_201 : vector<16xf32>
        %mul3A_203 = arith.constant 4 : i32
        %mul3A_204 = arith.muli %scan3A_189, %mul3A_203 : i32
        %add3A_205 = arith.constant 1 : i32
        %add3A_206 = arith.addi %mul3A_204, %add3A_205 : i32
        %mul3A_207 = arith.constant 16 : i32
        %mul3A_208 = arith.muli %add3A_206, %mul3A_207 : i32
        %add3A_209 = arith.constant 4096 : i32
        %add3A_210 = arith.addi %add3A_209, %mul3A_208 : i32
        %get3A_211 = arith.index_cast %add3A_210 : i32 to index
        %get3A_212 = tpu.vector_load %arg4[%get3A_211] {strides = array<i32>} : memref<8192xf32, #tpu.memory_space<vmem>>, vector<16xf32>,
        %get3A_213 = vector.shape_cast %get3A_212 : vector<16xf32> to vector<16xf32>
        %add3A_214 = arith.addf %add3A_202, %get3A_213 : vector<16xf32>
        %mul3A_215 = arith.constant 4 : i32
        %mul3A_216 = arith.muli %scan3A_189, %mul3A_215 : i32
        %add3A_217 = arith.constant 2 : i32
        %add3A_218 = arith.addi %mul3A_216, %add3A_217 : i32
        %mul3A_219 = arith.constant 16 : i32
        %mul3A_220 = arith.muli %add3A_218, %mul3A_219 : i32
        %add3A_221 = arith.constant 4096 : i32
        %add3A_222 = arith.addi %add3A_221, %mul3A_220 : i32
        %get3A_223 = arith.index_cast %add3A_222 : i32 to index
        %get3A_224 = tpu.vector_load %arg4[%get3A_223] {strides = array<i32>} : memref<8192xf32, #tpu.memory_space<vmem>>, vector<16xf32>,
        %get3A_225 = vector.shape_cast %get3A_224 : vector<16xf32> to vector<16xf32>
        %add3A_226 = arith.addf %add3A_214, %get3A_225 : vector<16xf32>
        %mul3A_227 = arith.constant 4 : i32
        %mul3A_228 = arith.muli %scan3A_189, %mul3A_227 : i32
        %add3A_229 = arith.constant 3 : i32
        %add3A_230 = arith.addi %mul3A_228, %add3A_229 : i32
        %mul3A_231 = arith.constant 16 : i32
        %mul3A_232 = arith.muli %add3A_230, %mul3A_231 : i32
        %add3A_233 = arith.constant 4096 : i32
        %add3A_234 = arith.addi %add3A_233, %mul3A_232 : i32
        %get3A_235 = arith.index_cast %add3A_234 : i32 to index
        %get3A_236 = tpu.vector_load %arg4[%get3A_235] {strides = array<i32>} : memref<8192xf32, #tpu.memory_space<vmem>>, vector<16xf32>,
        %get3A_237 = vector.shape_cast %get3A_236 : vector<16xf32> to vector<16xf32>
        %add3A_238 = arith.addf %add3A_226, %get3A_237 : vector<16xf32>
        scf.yield %add3A_238 : vector<16xf32>
      }
      %scan3A_76 = arith.constant 64 : i32
      %swap3A_77 = arith.constant 0 : index
      %swap3A_78 = tpu.vector_load %arg5[%swap3A_77] {strides = array<i32>} : memref<32xf32, #tpu.memory_space<vmem>>, vector<16xf32>,
      %swap3A_79 = vector.shape_cast %swap3A_78 : vector<16xf32> to vector<16xf32>
      %swap3A_80 = vector.shape_cast %scan3A_75 : vector<16xf32> to vector<16xf32>
      tpu.vector_store %arg5[%swap3A_77], %swap3A_80 {strides = array<i32>} : memref<32xf32, #tpu.memory_space<vmem>>, vector<16xf32>,
      %swap3A_81 = arith.constant 16 : index
      %swap3A_82 = tpu.vector_load %arg5[%swap3A_81] {strides = array<i32>} : memref<32xf32, #tpu.memory_space<vmem>>, vector<16xf32>,
      %swap3A_83 = vector.shape_cast %swap3A_82 : vector<16xf32> to vector<16xf32>
      %swap3A_84 = vector.shape_cast %scan3A_75 : vector<16xf32> to vector<16xf32>
      tpu.vector_store %arg5[%swap3A_81], %swap3A_84 {strides = array<i32>} : memref<32xf32, #tpu.memory_space<vmem>>, vector<16xf32>,
      %get3A_85 = arith.constant 1 : index
      %get3A_86 = tpu.vector_load %arg5[%get3A_85] {strides = array<i32>} : memref<32xf32, #tpu.memory_space<vmem>>, vector<16xf32>,
      %get3A_87 = vector.shape_cast %get3A_86 : vector<16xf32> to vector<16xf32>
      %add3A_88 = arith.addf %scan3A_75, %get3A_87 : vector<16xf32>
      %swap3A_89 = arith.constant 0 : index
      %swap3A_90 = tpu.vector_load %arg5[%swap3A_89] {strides = array<i32>} : memref<32xf32, #tpu.memory_space<vmem>>, vector<16xf32>,
      %swap3A_91 = vector.shape_cast %swap3A_90 : vector<16xf32> to vector<16xf32>
      %swap3A_92 = vector.shape_cast %add3A_88 : vector<16xf32> to vector<16xf32>
      tpu.vector_store %arg5[%swap3A_89], %swap3A_92 {strides = array<i32>} : memref<32xf32, #tpu.memory_space<vmem>>, vector<16xf32>,
      %swap3A_93 = arith.constant 16 : index
      %swap3A_94 = tpu.vector_load %arg5[%swap3A_93] {strides = array<i32>} : memref<32xf32, #tpu.memory_space<vmem>>, vector<16xf32>,
      %swap3A_95 = vector.shape_cast %swap3A_94 : vector<16xf32> to vector<16xf32>
      %swap3A_96 = vector.shape_cast %add3A_88 : vector<16xf32> to vector<16xf32>
      tpu.vector_store %arg5[%swap3A_93], %swap3A_96 {strides = array<i32>} : memref<32xf32, #tpu.memory_space<vmem>>, vector<16xf32>,
      %get3A_97 = arith.constant 2 : index
      %get3A_98 = tpu.vector_load %arg5[%get3A_97] {strides = array<i32>} : memref<32xf32, #tpu.memory_space<vmem>>, vector<16xf32>,
      %get3A_99 = vector.shape_cast %get3A_98 : vector<16xf32> to vector<16xf32>
      %add3A_100 = arith.addf %add3A_88, %get3A_99 : vector<16xf32>
      %swap3A_101 = arith.constant 0 : index
      %swap3A_102 = tpu.vector_load %arg5[%swap3A_101] {strides = array<i32>} : memref<32xf32, #tpu.memory_space<vmem>>, vector<16xf32>,
      %swap3A_103 = vector.shape_cast %swap3A_102 : vector<16xf32> to vector<16xf32>
      %swap3A_104 = vector.shape_cast %add3A_100 : vector<16xf32> to vector<16xf32>
      tpu.vector_store %arg5[%swap3A_101], %swap3A_104 {strides = array<i32>} : memref<32xf32, #tpu.memory_space<vmem>>, vector<16xf32>,
      %swap3A_105 = arith.constant 16 : index
      %swap3A_106 = tpu.vector_load %arg5[%swap3A_105] {strides = array<i32>} : memref<32xf32, #tpu.memory_space<vmem>>, vector<16xf32>,
      %swap3A_107 = vector.shape_cast %swap3A_106 : vector<16xf32> to vector<16xf32>
      %swap3A_108 = vector.shape_cast %add3A_100 : vector<16xf32> to vector<16xf32>
      tpu.vector_store %arg5[%swap3A_105], %swap3A_108 {strides = array<i32>} : memref<32xf32, #tpu.memory_space<vmem>>, vector<16xf32>,
      %get3A_109 = arith.constant 4 : index
      %get3A_110 = tpu.vector_load %arg5[%get3A_109] {strides = array<i32>} : memref<32xf32, #tpu.memory_space<vmem>>, vector<16xf32>,
      %get3A_111 = vector.shape_cast %get3A_110 : vector<16xf32> to vector<16xf32>
      %add3A_112 = arith.addf %add3A_100, %get3A_111 : vector<16xf32>
      %swap3A_113 = arith.constant 0 : index
      %swap3A_114 = tpu.vector_load %arg5[%swap3A_113] {strides = array<i32>} : memref<32xf32, #tpu.memory_space<vmem>>, vector<16xf32>,
      %swap3A_115 = vector.shape_cast %swap3A_114 : vector<16xf32> to vector<16xf32>
      %swap3A_116 = vector.shape_cast %add3A_112 : vector<16xf32> to vector<16xf32>
      tpu.vector_store %arg5[%swap3A_113], %swap3A_116 {strides = array<i32>} : memref<32xf32, #tpu.memory_space<vmem>>, vector<16xf32>,
      %swap3A_117 = arith.constant 16 : index
      %swap3A_118 = tpu.vector_load %arg5[%swap3A_117] {strides = array<i32>} : memref<32xf32, #tpu.memory_space<vmem>>, vector<16xf32>,
      %swap3A_119 = vector.shape_cast %swap3A_118 : vector<16xf32> to vector<16xf32>
      %swap3A_120 = vector.shape_cast %add3A_112 : vector<16xf32> to vector<16xf32>
      tpu.vector_store %arg5[%swap3A_117], %swap3A_120 {strides = array<i32>} : memref<32xf32, #tpu.memory_space<vmem>>, vector<16xf32>,
      %get3A_121 = arith.constant 8 : index
      %get3A_122 = tpu.vector_load %arg5[%get3A_121] {strides = array<i32>} : memref<32xf32, #tpu.memory_space<vmem>>, vector<16xf32>,
      %get3A_123 = vector.shape_cast %get3A_122 : vector<16xf32> to vector<16xf32>
      %add3A_124 = arith.addf %add3A_112, %get3A_123 : vector<16xf32>
      %mul3A_125 = arith.constant 0.00122070313 : f32
      %mul3A_126 = vector.broadcast %mul3A_125 : f32 to vector<16xf32>
      %mul3A_127 = arith.mulf %add3A_124, %mul3A_126 : vector<16xf32>
      %broadcast_in_dim3A_128 = arith.constant 0.000000e+00 : f32
      %broadcast_in_dim3A_129 = vector.broadcast %broadcast_in_dim3A_128 : f32 to vector<16xf32>
      %scan3A_130 = arith.constant 0 : i32
      %scan3A_131 = arith.constant 64 : i32
      %scan3A_132 = arith.addi %scan3A_130, %scan3A_131 : i32
      %scan3A_133 = arith.constant 1 : i32
      %scan3A_134 = scf.for %scan3A_189 = %scan3A_130 to %scan3A_132 step %scan3A_133 iter_args(%scan3A_190 = %broadcast_in_dim3A_129) -> (vector<16xf32>)  : i32 {
        %mul3A_191 = arith.constant 4 : i32
        %mul3A_192 = arith.muli %scan3A_189, %mul3A_191 : i32
        %add3A_193 = arith.constant 0 : i32
        %add3A_194 = arith.addi %mul3A_192, %add3A_193 : i32
        %mul3A_195 = arith.constant 16 : i32
        %mul3A_196 = arith.muli %add3A_194, %mul3A_195 : i32
        %add3A_197 = arith.constant 4096 : i32
        %add3A_198 = arith.addi %add3A_197, %mul3A_196 : i32
        %get3A_199 = arith.index_cast %add3A_198 : i32 to index
        %get3A_200 = tpu.vector_load %arg4[%get3A_199] {strides = array<i32>} : memref<8192xf32, #tpu.memory_space<vmem>>, vector<16xf32>,
        %get3A_201 = vector.shape_cast %get3A_200 : vector<16xf32> to vector<16xf32>
        %gt3A = arith.cmpf ogt, %get3A_201, %mul3A_127 : vector<16xf32>
        %jit3A = arith.constant 0.000000e+00 : f32
        %broadcast_in_dim3A_202 = vector.broadcast %jit3A : f32 to vector<16xf32>
        %select_n3A = arith.select %gt3A, %get3A_201, %broadcast_in_dim3A_202 : vector<16xi1>, vector<16xf32>
        %add3A_203 = arith.addf %scan3A_190, %select_n3A : vector<16xf32>
        %mul3A_204 = arith.constant 4 : i32
        %mul3A_205 = arith.muli %scan3A_189, %mul3A_204 : i32
        %add3A_206 = arith.constant 1 : i32
        %add3A_207 = arith.addi %mul3A_205, %add3A_206 : i32
        %mul3A_208 = arith.constant 16 : i32
        %mul3A_209 = arith.muli %add3A_207, %mul3A_208 : i32
        %add3A_210 = arith.constant 4096 : i32
        %add3A_211 = arith.addi %add3A_210, %mul3A_209 : i32
        %get3A_212 = arith.index_cast %add3A_211 : i32 to index
        %get3A_213 = tpu.vector_load %arg4[%get3A_212] {strides = array<i32>} : memref<8192xf32, #tpu.memory_space<vmem>>, vector<16xf32>,
        %get3A_214 = vector.shape_cast %get3A_213 : vector<16xf32> to vector<16xf32>
        %gt3A_215 = arith.cmpf ogt, %get3A_214, %mul3A_127 : vector<16xf32>
        %jit3A_216 = arith.constant 0.000000e+00 : f32
        %broadcast_in_dim3A_217 = vector.broadcast %jit3A_216 : f32 to vector<16xf32>
        %select_n3A_218 = arith.select %gt3A_215, %get3A_214, %broadcast_in_dim3A_217 : vector<16xi1>, vector<16xf32>
        %add3A_219 = arith.addf %add3A_203, %select_n3A_218 : vector<16xf32>
        %mul3A_220 = arith.constant 4 : i32
        %mul3A_221 = arith.muli %scan3A_189, %mul3A_220 : i32
        %add3A_222 = arith.constant 2 : i32
        %add3A_223 = arith.addi %mul3A_221, %add3A_222 : i32
        %mul3A_224 = arith.constant 16 : i32
        %mul3A_225 = arith.muli %add3A_223, %mul3A_224 : i32
        %add3A_226 = arith.constant 4096 : i32
        %add3A_227 = arith.addi %add3A_226, %mul3A_225 : i32
        %get3A_228 = arith.index_cast %add3A_227 : i32 to index
        %get3A_229 = tpu.vector_load %arg4[%get3A_228] {strides = array<i32>} : memref<8192xf32, #tpu.memory_space<vmem>>, vector<16xf32>,
        %get3A_230 = vector.shape_cast %get3A_229 : vector<16xf32> to vector<16xf32>
        %gt3A_231 = arith.cmpf ogt, %get3A_230, %mul3A_127 : vector<16xf32>
        %jit3A_232 = arith.constant 0.000000e+00 : f32
        %broadcast_in_dim3A_233 = vector.broadcast %jit3A_232 : f32 to vector<16xf32>
        %select_n3A_234 = arith.select %gt3A_231, %get3A_230, %broadcast_in_dim3A_233 : vector<16xi1>, vector<16xf32>
        %add3A_235 = arith.addf %add3A_219, %select_n3A_234 : vector<16xf32>
        %mul3A_236 = arith.constant 4 : i32
        %mul3A_237 = arith.muli %scan3A_189, %mul3A_236 : i32
        %add3A_238 = arith.constant 3 : i32
        %add3A_239 = arith.addi %mul3A_237, %add3A_238 : i32
        %mul3A_240 = arith.constant 16 : i32
        %mul3A_241 = arith.muli %add3A_239, %mul3A_240 : i32
        %add3A_242 = arith.constant 4096 : i32
        %add3A_243 = arith.addi %add3A_242, %mul3A_241 : i32
        %get3A_244 = arith.index_cast %add3A_243 : i32 to index
        %get3A_245 = tpu.vector_load %arg4[%get3A_244] {strides = array<i32>} : memref<8192xf32, #tpu.memory_space<vmem>>, vector<16xf32>,
        %get3A_246 = vector.shape_cast %get3A_245 : vector<16xf32> to vector<16xf32>
        %gt3A_247 = arith.cmpf ogt, %get3A_246, %mul3A_127 : vector<16xf32>
        %jit3A_248 = arith.constant 0.000000e+00 : f32
        %broadcast_in_dim3A_249 = vector.broadcast %jit3A_248 : f32 to vector<16xf32>
        %select_n3A_250 = arith.select %gt3A_247, %get3A_246, %broadcast_in_dim3A_249 : vector<16xi1>, vector<16xf32>
        %add3A_251 = arith.addf %add3A_235, %select_n3A_250 : vector<16xf32>
        scf.yield %add3A_251 : vector<16xf32>
      }
      %scan3A_135 = arith.constant 64 : i32
      %add3A_136 = arith.addf %add3A_68, %scan3A_134 : vector<16xf32>
      %swap3A_137 = arith.constant 0 : index
      %swap3A_138 = tpu.vector_load %arg5[%swap3A_137] {strides = array<i32>} : memref<32xf32, #tpu.memory_space<vmem>>, vector<16xf32>,
      %swap3A_139 = vector.shape_cast %swap3A_138 : vector<16xf32> to vector<16xf32>
      %swap3A_140 = vector.shape_cast %add3A_136 : vector<16xf32> to vector<16xf32>
      tpu.vector_store %arg5[%swap3A_137], %swap3A_140 {strides = array<i32>} : memref<32xf32, #tpu.memory_space<vmem>>, vector<16xf32>,
      %swap3A_141 = arith.constant 16 : index
      %swap3A_142 = tpu.vector_load %arg5[%swap3A_141] {strides = array<i32>} : memref<32xf32, #tpu.memory_space<vmem>>, vector<16xf32>,
      %swap3A_143 = vector.shape_cast %swap3A_142 : vector<16xf32> to vector<16xf32>
      %swap3A_144 = vector.shape_cast %add3A_136 : vector<16xf32> to vector<16xf32>
      tpu.vector_store %arg5[%swap3A_141], %swap3A_144 {strides = array<i32>} : memref<32xf32, #tpu.memory_space<vmem>>, vector<16xf32>,
      %get3A_145 = arith.constant 1 : index
      %get3A_146 = tpu.vector_load %arg5[%get3A_145] {strides = array<i32>} : memref<32xf32, #tpu.memory_space<vmem>>, vector<16xf32>,
      %get3A_147 = vector.shape_cast %get3A_146 : vector<16xf32> to vector<16xf32>
      %add3A_148 = arith.addf %add3A_136, %get3A_147 : vector<16xf32>
      %swap3A_149 = arith.constant 0 : index
      %swap3A_150 = tpu.vector_load %arg5[%swap3A_149] {strides = array<i32>} : memref<32xf32, #tpu.memory_space<vmem>>, vector<16xf32>,
      %swap3A_151 = vector.shape_cast %swap3A_150 : vector<16xf32> to vector<16xf32>
      %swap3A_152 = vector.shape_cast %add3A_148 : vector<16xf32> to vector<16xf32>
      tpu.vector_store %arg5[%swap3A_149], %swap3A_152 {strides = array<i32>} : memref<32xf32, #tpu.memory_space<vmem>>, vector<16xf32>,
      %swap3A_153 = arith.constant 16 : index
      %swap3A_154 = tpu.vector_load %arg5[%swap3A_153] {strides = array<i32>} : memref<32xf32, #tpu.memory_space<vmem>>, vector<16xf32>,
      %swap3A_155 = vector.shape_cast %swap3A_154 : vector<16xf32> to vector<16xf32>
      %swap3A_156 = vector.shape_cast %add3A_148 : vector<16xf32> to vector<16xf32>
      tpu.vector_store %arg5[%swap3A_153], %swap3A_156 {strides = array<i32>} : memref<32xf32, #tpu.memory_space<vmem>>, vector<16xf32>,
      %get3A_157 = arith.constant 2 : index
      %get3A_158 = tpu.vector_load %arg5[%get3A_157] {strides = array<i32>} : memref<32xf32, #tpu.memory_space<vmem>>, vector<16xf32>,
      %get3A_159 = vector.shape_cast %get3A_158 : vector<16xf32> to vector<16xf32>
      %add3A_160 = arith.addf %add3A_148, %get3A_159 : vector<16xf32>
      %swap3A_161 = arith.constant 0 : index
      %swap3A_162 = tpu.vector_load %arg5[%swap3A_161] {strides = array<i32>} : memref<32xf32, #tpu.memory_space<vmem>>, vector<16xf32>,
      %swap3A_163 = vector.shape_cast %swap3A_162 : vector<16xf32> to vector<16xf32>
      %swap3A_164 = vector.shape_cast %add3A_160 : vector<16xf32> to vector<16xf32>
      tpu.vector_store %arg5[%swap3A_161], %swap3A_164 {strides = array<i32>} : memref<32xf32, #tpu.memory_space<vmem>>, vector<16xf32>,
      %swap3A_165 = arith.constant 16 : index
      %swap3A_166 = tpu.vector_load %arg5[%swap3A_165] {strides = array<i32>} : memref<32xf32, #tpu.memory_space<vmem>>, vector<16xf32>,
      %swap3A_167 = vector.shape_cast %swap3A_166 : vector<16xf32> to vector<16xf32>
      %swap3A_168 = vector.shape_cast %add3A_160 : vector<16xf32> to vector<16xf32>
      tpu.vector_store %arg5[%swap3A_165], %swap3A_168 {strides = array<i32>} : memref<32xf32, #tpu.memory_space<vmem>>, vector<16xf32>,
      %get3A_169 = arith.constant 4 : index
      %get3A_170 = tpu.vector_load %arg5[%get3A_169] {strides = array<i32>} : memref<32xf32, #tpu.memory_space<vmem>>, vector<16xf32>,
      %get3A_171 = vector.shape_cast %get3A_170 : vector<16xf32> to vector<16xf32>
      %add3A_172 = arith.addf %add3A_160, %get3A_171 : vector<16xf32>
      %swap3A_173 = arith.constant 0 : index
      %swap3A_174 = tpu.vector_load %arg5[%swap3A_173] {strides = array<i32>} : memref<32xf32, #tpu.memory_space<vmem>>, vector<16xf32>,
      %swap3A_175 = vector.shape_cast %swap3A_174 : vector<16xf32> to vector<16xf32>
      %swap3A_176 = vector.shape_cast %add3A_172 : vector<16xf32> to vector<16xf32>
      tpu.vector_store %arg5[%swap3A_173], %swap3A_176 {strides = array<i32>} : memref<32xf32, #tpu.memory_space<vmem>>, vector<16xf32>,
      %swap3A_177 = arith.constant 16 : index
      %swap3A_178 = tpu.vector_load %arg5[%swap3A_177] {strides = array<i32>} : memref<32xf32, #tpu.memory_space<vmem>>, vector<16xf32>,
      %swap3A_179 = vector.shape_cast %swap3A_178 : vector<16xf32> to vector<16xf32>
      %swap3A_180 = vector.shape_cast %add3A_172 : vector<16xf32> to vector<16xf32>
      tpu.vector_store %arg5[%swap3A_177], %swap3A_180 {strides = array<i32>} : memref<32xf32, #tpu.memory_space<vmem>>, vector<16xf32>,
      %get3A_181 = arith.constant 8 : index
      %get3A_182 = tpu.vector_load %arg5[%get3A_181] {strides = array<i32>} : memref<32xf32, #tpu.memory_space<vmem>>, vector<16xf32>,
      %get3A_183 = vector.shape_cast %get3A_182 : vector<16xf32> to vector<16xf32>
      %add3A_184 = arith.addf %add3A_172, %get3A_183 : vector<16xf32>
      %swap3A_185 = arith.constant 0 : index
      %swap3A_186 = tpu.vector_load %arg6[%swap3A_185] {strides = array<i32>} : memref<16xf32, #tpu.memory_space<vmem>>, vector<16xf32>,
      %swap3A_187 = vector.shape_cast %swap3A_186 : vector<16xf32> to vector<16xf32>
      %swap3A_188 = vector.shape_cast %add3A_184 : vector<16xf32> to vector<16xf32>
      tpu.vector_store %arg6[%swap3A_185], %swap3A_188 {strides = array<i32>} : memref<16xf32, #tpu.memory_space<vmem>>, vector<16xf32>,
      "tpu.region"() ({
        %run_scoped3A = tpu.sem_alloc : memref<!tpu.dma_semaphore, #tpu.memory_space<semaphore_mem>>
        tpu.enqueue_dma source(%arg6 : memref<16xf32, #tpu.memory_space<vmem>>) target(%arg3 : memref<16xf32, #tpu.memory_space<hbm>>) target_semaphore(%run_scoped3A : memref<!tpu.dma_semaphore, #tpu.memory_space<semaphore_mem>>)
        tpu.wait_dma2 semaphore(%run_scoped3A : memref<!tpu.dma_semaphore, #tpu.memory_space<semaphore_mem>>) src(%arg6 : memref<16xf32, #tpu.memory_space<vmem>>) dst(%arg3 : memref<16xf32, #tpu.memory_space<hbm>>)
        tpu.yield
      }) : () -> ()
    } else {
    }
    return
  }
}

module attributes {stable_mosaic.version = 14 : i64} {
  func.func @_dist_kernel(%arg0: i32, %arg1: i32, %arg2: memref<1x1024x3xf32, #tpu.memory_space<vmem>>, %arg3: memref<1x1x4096xf32, #tpu.memory_space<vmem>>, %arg4: memref<1x4096x3xf32, #tpu.memory_space<vmem>>, %arg5: memref<1x1024x1xf32, #tpu.memory_space<vmem>>) attributes {dimension_semantics = [#tpu.dimension_semantics<arbitrary>, #tpu.dimension_semantics<arbitrary>], iteration_bounds = array<i64: 2, 4>, scalar_prefetch = 0 : i64, scratch_operands = 0 : i64, tpu.core_type = #tpu.core_type<tc>, window_params = [{transform_indices = @transform_0, window_bounds = array<i64: 1, 1024, 3>}, {transform_indices = @transform_1, window_bounds = array<i64: 1, 1, 4096>}, {transform_indices = @transform_2, window_bounds = array<i64: 1, 4096, 3>}, {transform_indices = @transform_3, window_bounds = array<i64: 1, 1024, 1>}]} {
    %get3A = arith.constant 0 : index
    %get3A_0 = arith.constant 0 : index
    %get3A_1 = arith.constant 0 : index
    %get3A_2 = vector.load %arg2[%get3A, %get3A_0, %get3A_1] : memref<1x1024x3xf32, #tpu.memory_space<vmem>>, vector<1x1024x3xf32>
    %get3A_3 = vector.shape_cast %get3A_2 : vector<1x1024x3xf32> to vector<1024x3xf32>
    %convert_element_type3A = arith.truncf %get3A_3 : vector<1024x3xf32> to vector<1024x3xbf16>
    %add3A = arith.addf %convert_element_type3A, %convert_element_type3A : vector<1024x3xbf16>
    %get3A_4 = arith.constant 0 : index
    %get3A_5 = arith.constant 0 : index
    %get3A_6 = arith.constant 0 : index
    %get3A_7 = vector.load %arg4[%get3A_4, %get3A_5, %get3A_6] : memref<1x4096x3xf32, #tpu.memory_space<vmem>>, vector<1x4096x3xf32>
    %get3A_8 = vector.shape_cast %get3A_7 : vector<1x4096x3xf32> to vector<4096x3xf32>
    %convert_element_type3A_9 = arith.truncf %get3A_8 : vector<4096x3xf32> to vector<4096x3xbf16>
    %dot_general3A = arith.constant dense<0.000000e+00> : vector<1024x4096xf32>
    %dot_general3A_10 = tpu.matmul %add3A, %convert_element_type3A_9, %dot_general3A {dimension_numbers = #tpu.dot_dimension_numbers<[1], [1], [0], [0], [0, 0, 1, 0], [], []>, transpose_lhs_hint = false} : vector<1024x3xbf16>, vector<4096x3xbf16>, vector<1024x4096xf32> -> vector<1024x4096xf32>
    %slice3A = vector.extract_strided_slice %get3A_3 {offsets = [0, 0], sizes = [1024, 1], strides = [1, 1]} : vector<1024x3xf32> to vector<1024x1xf32>
    %slice3A_11 = vector.extract_strided_slice %get3A_3 {offsets = [0, 0], sizes = [1024, 1], strides = [1, 1]} : vector<1024x3xf32> to vector<1024x1xf32>
    %mul3A = arith.mulf %slice3A, %slice3A_11 : vector<1024x1xf32>
    %slice3A_12 = vector.extract_strided_slice %get3A_3 {offsets = [0, 1], sizes = [1024, 1], strides = [1, 1]} : vector<1024x3xf32> to vector<1024x1xf32>
    %slice3A_13 = vector.extract_strided_slice %get3A_3 {offsets = [0, 1], sizes = [1024, 1], strides = [1, 1]} : vector<1024x3xf32> to vector<1024x1xf32>
    %mul3A_14 = arith.mulf %slice3A_12, %slice3A_13 : vector<1024x1xf32>
    %add3A_15 = arith.addf %mul3A, %mul3A_14 : vector<1024x1xf32>
    %slice3A_16 = vector.extract_strided_slice %get3A_3 {offsets = [0, 2], sizes = [1024, 1], strides = [1, 1]} : vector<1024x3xf32> to vector<1024x1xf32>
    %slice3A_17 = vector.extract_strided_slice %get3A_3 {offsets = [0, 2], sizes = [1024, 1], strides = [1, 1]} : vector<1024x3xf32> to vector<1024x1xf32>
    %mul3A_18 = arith.mulf %slice3A_16, %slice3A_17 : vector<1024x1xf32>
    %add3A_19 = arith.addf %add3A_15, %mul3A_18 : vector<1024x1xf32>
    %get3A_20 = arith.constant 0 : index
    %get3A_21 = arith.constant 0 : index
    %get3A_22 = arith.constant 0 : index
    %get3A_23 = vector.load %arg3[%get3A_20, %get3A_21, %get3A_22] : memref<1x1x4096xf32, #tpu.memory_space<vmem>>, vector<1x1x4096xf32>
    %get3A_24 = vector.shape_cast %get3A_23 : vector<1x1x4096xf32> to vector<1x4096xf32>
    %slice3A_25 = vector.extract_strided_slice %get3A_24 {offsets = [0, 0], sizes = [1, 2048], strides = [1, 1]} : vector<1x4096xf32> to vector<1x2048xf32>
    %add3A_26 = vector.broadcast %add3A_19 : vector<1024x1xf32> to vector<1024x2048xf32>
    %add3A_27 = vector.broadcast %slice3A_25 : vector<1x2048xf32> to vector<1024x2048xf32>
    %add3A_28 = arith.addf %add3A_26, %add3A_27 : vector<1024x2048xf32>
    %slice3A_29 = vector.extract_strided_slice %dot_general3A_10 {offsets = [0, 0], sizes = [1024, 2048], strides = [1, 1]} : vector<1024x4096xf32> to vector<1024x2048xf32>
    %sub3A = arith.subf %add3A_28, %slice3A_29 : vector<1024x2048xf32>
    %slice3A_30 = vector.extract_strided_slice %get3A_24 {offsets = [0, 2048], sizes = [1, 2048], strides = [1, 1]} : vector<1x4096xf32> to vector<1x2048xf32>
    %add3A_31 = vector.broadcast %add3A_19 : vector<1024x1xf32> to vector<1024x2048xf32>
    %add3A_32 = vector.broadcast %slice3A_30 : vector<1x2048xf32> to vector<1024x2048xf32>
    %add3A_33 = arith.addf %add3A_31, %add3A_32 : vector<1024x2048xf32>
    %slice3A_34 = vector.extract_strided_slice %dot_general3A_10 {offsets = [0, 2048], sizes = [1024, 2048], strides = [1, 1]} : vector<1024x4096xf32> to vector<1024x2048xf32>
    %sub3A_35 = arith.subf %add3A_33, %slice3A_34 : vector<1024x2048xf32>
    %min3A = arith.minimumf %sub3A, %sub3A_35 : vector<1024x2048xf32>
    %max3A = arith.maximumf %sub3A, %sub3A_35 : vector<1024x2048xf32>
    %slice3A_36 = vector.extract_strided_slice %min3A {offsets = [0, 0], sizes = [1024, 1024], strides = [1, 1]} : vector<1024x2048xf32> to vector<1024x1024xf32>
    %slice3A_37 = vector.extract_strided_slice %min3A {offsets = [0, 1024], sizes = [1024, 1024], strides = [1, 1]} : vector<1024x2048xf32> to vector<1024x1024xf32>
    %slice3A_38 = vector.extract_strided_slice %max3A {offsets = [0, 0], sizes = [1024, 1024], strides = [1, 1]} : vector<1024x2048xf32> to vector<1024x1024xf32>
    %slice3A_39 = vector.extract_strided_slice %max3A {offsets = [0, 1024], sizes = [1024, 1024], strides = [1, 1]} : vector<1024x2048xf32> to vector<1024x1024xf32>
    %max3A_40 = arith.maximumf %slice3A_36, %slice3A_37 : vector<1024x1024xf32>
    %min3A_41 = arith.minimumf %slice3A_36, %slice3A_37 : vector<1024x1024xf32>
    %min3A_42 = arith.minimumf %slice3A_38, %slice3A_39 : vector<1024x1024xf32>
    %min3A_43 = arith.minimumf %min3A_42, %max3A_40 : vector<1024x1024xf32>
    %slice3A_44 = vector.extract_strided_slice %min3A_41 {offsets = [0, 0], sizes = [1024, 512], strides = [1, 1]} : vector<1024x1024xf32> to vector<1024x512xf32>
    %slice3A_45 = vector.extract_strided_slice %min3A_41 {offsets = [0, 512], sizes = [1024, 512], strides = [1, 1]} : vector<1024x1024xf32> to vector<1024x512xf32>
    %slice3A_46 = vector.extract_strided_slice %min3A_43 {offsets = [0, 0], sizes = [1024, 512], strides = [1, 1]} : vector<1024x1024xf32> to vector<1024x512xf32>
    %slice3A_47 = vector.extract_strided_slice %min3A_43 {offsets = [0, 512], sizes = [1024, 512], strides = [1, 1]} : vector<1024x1024xf32> to vector<1024x512xf32>
    %max3A_48 = arith.maximumf %slice3A_44, %slice3A_45 : vector<1024x512xf32>
    %min3A_49 = arith.minimumf %slice3A_44, %slice3A_45 : vector<1024x512xf32>
    %min3A_50 = arith.minimumf %slice3A_46, %slice3A_47 : vector<1024x512xf32>
    %min3A_51 = arith.minimumf %min3A_50, %max3A_48 : vector<1024x512xf32>
    %slice3A_52 = vector.extract_strided_slice %min3A_49 {offsets = [0, 0], sizes = [1024, 256], strides = [1, 1]} : vector<1024x512xf32> to vector<1024x256xf32>
    %slice3A_53 = vector.extract_strided_slice %min3A_49 {offsets = [0, 256], sizes = [1024, 256], strides = [1, 1]} : vector<1024x512xf32> to vector<1024x256xf32>
    %slice3A_54 = vector.extract_strided_slice %min3A_51 {offsets = [0, 0], sizes = [1024, 256], strides = [1, 1]} : vector<1024x512xf32> to vector<1024x256xf32>
    %slice3A_55 = vector.extract_strided_slice %min3A_51 {offsets = [0, 256], sizes = [1024, 256], strides = [1, 1]} : vector<1024x512xf32> to vector<1024x256xf32>
    %max3A_56 = arith.maximumf %slice3A_52, %slice3A_53 : vector<1024x256xf32>
    %min3A_57 = arith.minimumf %slice3A_52, %slice3A_53 : vector<1024x256xf32>
    %min3A_58 = arith.minimumf %slice3A_54, %slice3A_55 : vector<1024x256xf32>
    %min3A_59 = arith.minimumf %min3A_58, %max3A_56 : vector<1024x256xf32>
    %slice3A_60 = vector.extract_strided_slice %min3A_57 {offsets = [0, 0], sizes = [1024, 128], strides = [1, 1]} : vector<1024x256xf32> to vector<1024x128xf32>
    %slice3A_61 = vector.extract_strided_slice %min3A_57 {offsets = [0, 128], sizes = [1024, 128], strides = [1, 1]} : vector<1024x256xf32> to vector<1024x128xf32>
    %slice3A_62 = vector.extract_strided_slice %min3A_59 {offsets = [0, 0], sizes = [1024, 128], strides = [1, 1]} : vector<1024x256xf32> to vector<1024x128xf32>
    %slice3A_63 = vector.extract_strided_slice %min3A_59 {offsets = [0, 128], sizes = [1024, 128], strides = [1, 1]} : vector<1024x256xf32> to vector<1024x128xf32>
    %max3A_64 = arith.maximumf %slice3A_60, %slice3A_61 : vector<1024x128xf32>
    %min3A_65 = arith.minimumf %slice3A_60, %slice3A_61 : vector<1024x128xf32>
    %min3A_66 = arith.minimumf %slice3A_62, %slice3A_63 : vector<1024x128xf32>
    %min3A_67 = arith.minimumf %min3A_66, %max3A_64 : vector<1024x128xf32>
    %reduce_min3A = arith.constant dense<0x7F800000> : vector<1024xf32>
    %reduce_min3A_68 = vector.multi_reduction <minimumf>, %min3A_65, %reduce_min3A [1] : vector<1024x128xf32> to vector<1024xf32>
    %broadcast_in_dim3A = vector.shape_cast %reduce_min3A_68 : vector<1024xf32> to vector<1024x1xf32>
    %eq3A = vector.broadcast %broadcast_in_dim3A : vector<1024x1xf32> to vector<1024x128xf32>
    %eq3A_69 = arith.cmpf oeq, %min3A_65, %eq3A : vector<1024x128xf32>
    %jit3A = arith.constant 1.000000e+00 : f32
    %jit3A_70 = arith.constant 0.000000e+00 : f32
    %broadcast_in_dim3A_71 = vector.broadcast %jit3A : f32 to vector<1024x128xf32>
    %broadcast_in_dim3A_72 = vector.broadcast %jit3A_70 : f32 to vector<1024x128xf32>
    %select_n3A = arith.select %eq3A_69, %broadcast_in_dim3A_71, %broadcast_in_dim3A_72 : vector<1024x128xi1>, vector<1024x128xf32>
    %reduce_sum3A = arith.constant dense<0.000000e+00> : vector<1024xf32>
    %reduce_sum3A_73 = vector.multi_reduction <add>, %select_n3A, %reduce_sum3A [1] : vector<1024x128xf32> to vector<1024xf32>
    %broadcast_in_dim3A_74 = vector.shape_cast %reduce_sum3A_73 : vector<1024xf32> to vector<1024x1xf32>
    %jit3A_75 = arith.constant 3.000000e+38 : f32
    %broadcast_in_dim3A_76 = vector.broadcast %jit3A_75 : f32 to vector<1024x128xf32>
    %select_n3A_77 = arith.select %eq3A_69, %broadcast_in_dim3A_76, %min3A_65 : vector<1024x128xi1>, vector<1024x128xf32>
    %reduce_min3A_78 = arith.constant dense<0x7F800000> : vector<1024xf32>
    %reduce_min3A_79 = vector.multi_reduction <minimumf>, %select_n3A_77, %reduce_min3A_78 [1] : vector<1024x128xf32> to vector<1024xf32>
    %broadcast_in_dim3A_80 = vector.shape_cast %reduce_min3A_79 : vector<1024xf32> to vector<1024x1xf32>
    %jit3A_81 = arith.constant 3.000000e+38 : f32
    %broadcast_in_dim3A_82 = vector.broadcast %jit3A_81 : f32 to vector<1024x128xf32>
    %select_n3A_83 = arith.select %eq3A_69, %min3A_67, %broadcast_in_dim3A_82 : vector<1024x128xi1>, vector<1024x128xf32>
    %reduce_min3A_84 = arith.constant dense<0x7F800000> : vector<1024xf32>
    %reduce_min3A_85 = vector.multi_reduction <minimumf>, %select_n3A_83, %reduce_min3A_84 [1] : vector<1024x128xf32> to vector<1024xf32>
    %broadcast_in_dim3A_86 = vector.shape_cast %reduce_min3A_85 : vector<1024xf32> to vector<1024x1xf32>
    %ge3A = arith.constant 2.000000e+00 : f32
    %ge3A_87 = vector.broadcast %ge3A : f32 to vector<1024x1xf32>
    %ge3A_88 = arith.cmpf oge, %broadcast_in_dim3A_74, %ge3A_87 : vector<1024x1xf32>
    %select_n3A_89 = arith.select %ge3A_88, %broadcast_in_dim3A, %broadcast_in_dim3A_80 : vector<1024x1xi1>, vector<1024x1xf32>
    %min3A_90 = arith.minimumf %select_n3A_89, %broadcast_in_dim3A_86 : vector<1024x1xf32>
    %max3A_91 = arith.constant 9.99999996E-13 : f32
    %max3A_92 = vector.broadcast %max3A_91 : f32 to vector<1024x1xf32>
    %max3A_93 = arith.maximumf %broadcast_in_dim3A, %max3A_92 : vector<1024x1xf32>
    %sqrt3A = math.sqrt %max3A_93 : vector<1024x1xf32>
    %max3A_94 = arith.constant 9.99999996E-13 : f32
    %max3A_95 = vector.broadcast %max3A_94 : f32 to vector<1024x1xf32>
    %max3A_96 = arith.maximumf %min3A_90, %max3A_95 : vector<1024x1xf32>
    %sqrt3A_97 = math.sqrt %max3A_96 : vector<1024x1xf32>
    %add3A_98 = arith.addf %sqrt3A, %sqrt3A_97 : vector<1024x1xf32>
    %swap3A = arith.constant 0 : index
    %swap3A_99 = arith.constant 0 : index
    %swap3A_100 = arith.constant 0 : index
    %swap3A_101 = vector.load %arg5[%swap3A, %swap3A_99, %swap3A_100] : memref<1x1024x1xf32, #tpu.memory_space<vmem>>, vector<1x1024x1xf32>
    %swap3A_102 = vector.shape_cast %swap3A_101 : vector<1x1024x1xf32> to vector<1024x1xf32>
    %swap3A_103 = vector.shape_cast %add3A_98 : vector<1024x1xf32> to vector<1x1024x1xf32>
    tpu.vector_store %arg5[%swap3A, %swap3A_99, %swap3A_100], %swap3A_103 {strides = array<i32>} : memref<1x1024x1xf32, #tpu.memory_space<vmem>>, vector<1x1024x1xf32>,
    return
  }
  func.func @transform_0(%arg0: i32, %arg1: i32) -> (i32, i32, i32) {
    %c0_i32 = arith.constant 0 : i32
    %c0_i32_0 = arith.constant 0 : i32
    return %arg0, %arg1, %c0_i32 : i32, i32, i32
  }
  func.func @transform_1(%arg0: i32, %arg1: i32) -> (i32, i32, i32) {
    %c0_i32 = arith.constant 0 : i32
    %c0_i32_0 = arith.constant 0 : i32
    %c0_i32_1 = arith.constant 0 : i32
    return %arg0, %c0_i32, %c0_i32_0 : i32, i32, i32
  }
  func.func @transform_2(%arg0: i32, %arg1: i32) -> (i32, i32, i32) {
    %c0_i32 = arith.constant 0 : i32
    %c0_i32_0 = arith.constant 0 : i32
    %c0_i32_1 = arith.constant 0 : i32
    return %arg0, %c0_i32, %c0_i32_0 : i32, i32, i32
  }
  func.func @transform_3(%arg0: i32, %arg1: i32) -> (i32, i32, i32) {
    %c0_i32 = arith.constant 0 : i32
    %c0_i32_0 = arith.constant 0 : i32
    return %arg0, %arg1, %c0_i32 : i32, i32, i32
  }
}

</mosaic_0001>

<sc_bundles>
// kernel: kernel.4.cloned.1.call-start
scs
__scs_entry_jumppad:
0x0: {  	(pc) =	sbr.rel $0x88, $3  }
0x1: {  	(tag) =	ssettag $0x0;
	lr =	simm.s32 $0x1  }
0x2: {  	[smem:$0x3FA0] =	sst lr;
	_ =	strace $0xD0000000  }
0x3: {  	_ = 	snop  }
0x4: {  	_ = 	snop  }
0x5: {  	_ = 	snop  }
0x6: {  	_ = 	snop  }
0x7: {  	_ = 	snop  }
__scs_overlays_trampoline_lowered:
0x8: {  	[smem:$0x3FAF] =	sst s0  }
0x9: {  	[smem:$0x3FB0] =	sst s1  }
0xa: {  	[smem:$0x3FB1] =	sst s2  }
0xb: {  	[smem:$0x3FB2] =	sst s3  }
0xc: {  	[smem:$0x3FB3] =	sst s4  }
0xd: {  	[smem:$0x3FB4] =	sst s5  }
0xe: {  	[smem:$0x3FB5] =	sst s6  }
0xf: {  	[smem:$0x3FB6] =	sst s7  }
0x10: {  	[smem:$0x3FB7] =	sst s8  }
0x11: {  	[smem:$0x3FB8] =	sst s9;
	s0 =	simm.s32 @!p0 $0x0  }
0x12: {  	s1 =	sld [smem:$0x3F9E];
	s0 =	simm.s32 @p0 $0x1  }
0x13: {  	[smem:$0x3FB9] =	sst s0;
	s0 =	simm.s32 @!p1 $0x0  }
0x14: {  	s2 =	sld [smem:$0x3F9D];
	s0 =	simm.s32 @p1 $0x1  }
0x15: {  	[smem:$0x3FBA] =	sst s0;
	s0 =	simm.s32 @!p2 $0x0  }
0x16: {  	s3 =	sld [smem:$0x3FDB];
	s0 =	simm.s32 @p2 $0x1  }
0x17: {  	s4 =	simm.s32 $0x1BF5;
	[smem:$0x3FBC] =	sst s0  }
0x18: {  	s0 =	sld [smem:$0x3F9F];
	_ =	swait.ge [sflag:s4], $0x0  }
0x19: {  	s7 =	sld [smem:$0x3FA0]  }
0x1a: {  	s8 =	sadd.s32 $0xFFFFE003, lr  }
0x1b: {  	s9 =	sadd.s32 $0xFFFFFEF7, lr;
	s5 =	simm.s32 $0xFFFFFFFF;
	p2 =	slt.u32 s8, $0xFFFFF086  }
0x1c: {  	p1 =	slt.u32 s9, $0xF7A;
	s5 =	simm.s32 @!p2 $0x0  }
0x1d: {  	s5 =	simm.s32 @p1 $0x1;
	p0 =	seq.s32 s7, s2  }
0x1e: {  	s7 =	smul.u32 @!p0 $0xF7A, s2;
	p2 =	seq.s32 @!p0 s5, $0x0  }
0x1f: {  	s9 =	smul.u32 $0xF7A, s1;
	s8 =	simm.s32 @!p0 $0x1BF5;
	p2 =	por !p2, p0  }
0x20: {  	[sflag:s8] =	ssyncset.s32 @!p0 $0xFFFFF086;
	s6 =	sadd.s32 @!p0 s3, s7;
	s7 =	simm.s32 @!p0 $0x108  }
0x21: {  	s3 =	sadd.s32 s3, s9;
	s6 =	sadd.s32 @!p0 $0x88, s6;
	s7 =	simm.s32 @p2 $0x1082  }
0x22: {  	[simem:s7], [sflag:s8] =	dma.local @!p0 [hbm:s6], $0xF7A  }
0x23: {  	s9 =	sor.u32 $0xD0000000, s2;
	s6 =	simm.s32 $0x108;
	_ =	swait.ge @!p0 [sflag:s8], $0x0  }
0x24: {  	s3 =	sadd.s32 $0x88, s3;
	s6 =	simm.s32 @!p1 $0x1082;
	[sflag:s4] =	ssyncset.s32 $0xFFFFF086  }
0x25: {  	[simem:s6], [sflag:s4] =	dma.local [hbm:s3], $0xF7A  }
0x26: {  	[smem:$0x3FA0] =	sst s1;
	(tag) =	ssettag s2;
	_ =	strace s9  }
0x27: {  	s1 =	sld [smem:$0x3FB0]  }
0x28: {  	s2 =	sld [smem:$0x3FB1]  }
0x29: {  	s4 =	sld [smem:$0x3FB3]  }
0x2a: {  	p0 =	seq.s32 s5, $0x0;
	s5 =	sld [smem:$0x3FB4]  }
0x2b: {  	s6 =	sld [smem:$0x3FB5]  }
0x2c: {  	s7 =	sld [smem:$0x3FB6]  }
0x2d: {  	s3 =	simm.s32 $0x108;
	s8 =	sld [smem:$0x3FB7]  }
0x2e: {  	s3 =	simm.s32 @!p0 $0x1082;
	s9 =	sld [smem:$0x3FB8]  }
0x2f: {  	lr =	sadd.s32 s0, s3;
	s0 =	sld [smem:$0x3FAF]  }
0x30: {  	s3 =	sld [smem:$0x3FB2]  }
0x31: {  	[smem:$0x3FBB] =	sst s10  }
0x32: {  	s10 =	sld [smem:$0x3FB9];
	_ =	sdelay $0x3  }
0x33: {  	p0 =	seq.s32 s10, $0x1;
	s10 =	sld [smem:$0x3FBB];
	_ =	sdelay $0x3  }
0x34: {  	[smem:$0x3FBB] =	sst s10  }
0x35: {  	s10 =	sld [smem:$0x3FBA];
	_ =	sdelay $0x3  }
0x36: {  	p1 =	seq.s32 s10, $0x1;
	s10 =	sld [smem:$0x3FBB];
	_ =	sdelay $0x3  }
0x37: {  	[smem:$0x3FBB] =	sst s10  }
0x38: {  	s10 =	sld [smem:$0x3FBC]  }
0x39: {  	_ = 	snop;
	(pc) =	sbr.ind lr, $3  }
0x3a: {  	_ = 	snop  }
0x3b: {  	_ = 	snop  }
0x3c: {  	p2 =	seq.s32 s10, $0x1;
	s10 =	sld [smem:$0x3FBB]  }
0x3d: {  	_ =	shalt  }
0x3e: {  	_ =	shalt  }
0x3f: {  	_ =	shalt  }
0x40: {  	_ =	shalt  }
0x41: {  	_ =	shalt  }
0x42: {  	_ =	shalt  }
0x43: {  	_ =	shalt  }
0x44: {  	_ =	shalt  }
0x45: {  	_ =	shalt  }
0x46: {  	_ =	shalt  }
0x47: {  	_ =	shalt  }
0x48: {  	_ =	shalt  }
0x49: {  	_ =	shalt  }
0x4a: {  	_ =	shalt  }
0x4b: {  	_ =	shalt  }
0x4c: {  	_ =	shalt  }
0x4d: {  	_ =	shalt  }
0x4e: {  	_ =	shalt  }
0x4f: {  	_ =	shalt  }
0x50: {  	_ =	shalt  }
0x51: {  	_ =	shalt  }
0x52: {  	_ =	shalt  }
0x53: {  	_ =	shalt  }
0x54: {  	_ =	shalt  }
0x55: {  	_ =	shalt  }
0x56: {  	_ =	shalt  }
0x57: {  	_ =	shalt  }
0x58: {  	_ =	shalt  }
0x59: {  	_ =	shalt  }
0x5a: {  	_ =	shalt  }
0x5b: {  	_ =	shalt  }
0x5c: {  	_ =	shalt  }
0x5d: {  	_ =	shalt  }
0x5e: {  	_ =	shalt  }
0x5f: {  	_ =	shalt  }
0x60: {  	_ =	shalt  }
0x61: {  	_ =	shalt  }
0x62: {  	_ =	shalt  }
0x63: {  	_ =	shalt  }
0x64: {  	_ =	shalt  }
0x65: {  	_ =	shalt  }
0x66: {  	_ =	shalt  }
0x67: {  	_ =	shalt  }
0x68: {  	_ =	shalt  }
0x69: {  	_ =	shalt  }
0x6a: {  	_ =	shalt  }
0x6b: {  	_ =	shalt  }
0x6c: {  	_ =	shalt  }
0x6d: {  	_ =	shalt  }
0x6e: {  	_ =	shalt  }
0x6f: {  	_ =	shalt  }
0x70: {  	_ =	shalt  }
0x71: {  	_ =	shalt  }
0x72: {  	_ =	shalt  }
0x73: {  	_ =	shalt  }
0x74: {  	_ =	shalt  }
0x75: {  	_ =	shalt  }
0x76: {  	_ =	shalt  }
0x77: {  	_ =	shalt  }
0x78: {  	_ =	shalt  }
0x79: {  	_ =	shalt  }
0x7a: {  	_ =	shalt  }
0x7b: {  	_ =	shalt  }
0x7c: {  	_ =	shalt  }
0x7d: {  	_ =	shalt  }
0x7e: {  	_ =	shalt  }
0x7f: {  	_ =	shalt  }
0x80: {  	_ =	shalt  }
0x81: {  	_ =	shalt  }
0x82: {  	_ =	shalt  }
0x83: {  	_ =	shalt  }
0x84: {  	_ =	shalt  }
0x85: {  	_ =	shalt  }
0x86: {  	_ =	shalt  }
0x87: {  	_ =	shalt  }
.Lfunc_end0:
.L_simem_size_0:
called_computation_lowered:
.L_overlay_start_0:
0x88: {  	s2 =	sld [smem:$0x3FD9]  }
0x89: {  	s3 =	sld [smem:$0x3FFE];
	_ =	sdelay $0x1  }
0x8a: {  	s1 =	srdreg.scid  }
0x8b: {  	s0 =	sand.u32 $0x1, s1  }
0x8c: {  	s17 =	sshll.u32 s0, $0xA;
	s2 =	sadd.s32 s3, s2  }
0x8d: {  	s2 =	sadd.s32 s2, s17  }
0x8e: {  	[smem:$0x3FC7] =	sst s2  }
0x8f: {  	_ = 	snop  }
0x90: {  	s2 =	sld [smem:$0x3FD0];
	(tm) =	ssettm $0x1  }
0x91: {  	s18 =	sld [smem:$0x3FFB];
	_ =	sdelay $0x3  }
0x92: {  	_ =	strace s18  }
0x93: {  	s3 =	sld [smem:$0x3FFC];
	_ =	sdelay $0x3  }
0x94: {  	_ =	strace s3  }
0x95: {  	s3 =	sld [smem:$0x3FFD];
	_ =	sdelay $0x3  }
0x96: {  	_ =	strace s3  }
0x97: {  	_ =	strace $0x8FFFFFFF  }
0x98: {  	s19 =	sld [smem:$0x3FDB];
	_ =	sdelay $0x1  }
0x99: {  	s4 =	simm.s32 $_scs_section_size  }
0x9a: {  	s5 =	simm.s32 $_size__tile_overlayer_lowered;
	s6 =	simm.s32 $_tile_overlayer_lowered  }
0x9b: {  	s22 =	simm.s32 $0x1BFF;
	s21 =	sshll.u32 s6, $0x1;
	s3 =	sadd.s32 s4, s19  }
0x9c: {  	s7 =	simm.s32 $0x0;
	s20 =	sshll.u32 s5, $0x1;
	s5 =	sadd.s32 s21, s3  }
0x9d: {  	[timem:s7], [sflag:s22] =	dma.local [hbm:s5], s20  }
0x9e: {  	_ =	swait.ge [sflag:s22], s20  }
0x9f: {  	s4 =	ssub.s32 $0x0, s20;
	[sflag:s22] =	ssyncset.done $0x0  }
0xa0: {  	[sflag:s22] =	ssyncadd.s32 s4;
	_ =	sdelay $0x1  }
0xa1: {  	s23 =	simm.s32 $0x1B8B  }
0xa2: {  	_ =	swait.ge [sflag:s23], $0x1  }
0xa3: {  	[sflag:s23] =	ssyncset.done $0x0  }
0xa4: {  	s25 =	simm.s32 $0x1B8E;
	s24 =	sld [smem:$0x3FFE];
	[sflag:s23] =	ssyncadd.s32 $0xFFFFFFFF  }
0xa5: {  	s26 =	simm.s32 $execute0_lowered;
	[smem:$0x3FD2] =	sst s25  }
0xa6: {  	s5 =	sshll.u32 s26, $0x1;
	_ =	strace $0x80000046;
	[dreg:$0x1] =	wrdreg $0xFFFFFFFF  }
0xa7: {  	s28 =	simm.s32 $_size_execute0_lowered;
	s3 =	sadd.s32 s3, s5;
	[dreg:$0x0] =	wrdreg $0x0  }
0xa8: {  	s5 =	sshll.u32 s28, $0x1;
	[dreg:$0x2] =	wrdreg s3  }
0xa9: {  	[dreg:$0x3] =	wrdreg s5  }
0xaa: {  	[dreg:$0x4] =	wrdreg $0xC0  }
0xab: {  	_ =	task [dreg:s7], $0x5FFFF  }
0xac: {  	[dreg:$0x1] =	wrdreg $0xFFFFFFFF  }
0xad: {  	[dreg:$0x0] =	wrdreg $0x60  }
0xae: {  	[dreg:$0x2] =	wrdreg s24  }
0xaf: {  	[dreg:$0x3] =	wrdreg s2  }
0xb0: {  	[dreg:$0x4] =	wrdreg $0x9  }
0xb1: {  	_ =	task.clear_ibuf [dreg:s7], $0x5FFFF;
	_ =	strace $0x90000046  }
0xb2: {  	s29 =	simm.s32 $0x9;
	_ =	strace $0x80000048  }
0xb3: {  	_ =	swait.ge [sflag:s29], $0x1  }
0xb4: {  	[sflag:s29] =	ssyncadd.s32 $0xFFFFFFFF  }
0xb5: {  	_ =	strace $0x90000048  }
0xb6: {  	_ =	sfence  }
0xb7: {  	s30 =	sld [smem:$0x0];
	_ =	sdelay $0x2  }
0xb8: {  	s31 =	sshll.u32 s1, $0xD;
	s1 =	sshrl.u32 s1, $0x2  }
0xb9: {  	s3 =	sand.u32 $0x4000, s31;
	s1 =	sadd.s32 s1, s30  }
0xba: {  	s0 =	sor.u32 s3, s0;
	s1 =	sshll.u32 s1, $0x11  }
0xbb: {  	s0 =	sor.u32 s1, s0  }
0xbc: {  	s0 =	sadd.s32 $0x8F2B, s0  }
0xbd: {  	[sflag:s0] =	ssyncadd.remote.s32 $0x1  }
0xbe: {  	_ =	sfence.sel $0xFFFF  }
0xbf: {  	[dreg:$0x0] =	wrdreg $0xFFFFFFFF;
	(pc) =	sbr.abs _section_cstart, $3  }
0xc0: {  	[dreg:$0x1] =	wrdreg $0xFFFFFFFF  }
0xc1: {  	_ =	task.clear_ibuf [dreg:s7], $0x2FFFF;
	_ =	strace $0x9FFFFFFF  }
0xc2: {  	(tm) =	ssettm $0x7FFFFFFF  }
0xc3: {  	_ =	shalt  }
tec
execute0_lowered:
.L_overlay_start_1:
0x0: {  	(tag) =	ssettag $0x1  }
0x1: {  	s0 =	srdreg.scid  }
0x2: {  	s4 =	sand.u32 $0x1, s0;
	s0 =	stileid.u32  }
0x3: {  	s5 =	sshll.u32 s0, $0x1;
	s6 =	ssub.s32 $0x0, s4  }
0x4: {  	p0 =	sne.s32 s5, s6  }
.Ltmp0:
0x5: {  	_ = 	snop;
	(pc) =	sbr.rel @p0 .LBB2_11-.Ltmp0, $4  }
0x6: {  	_ = 	snop  }
0x7: {  	s2 =	rddreg [dreg:$0x0]  }
0x8: {  	s3 =	rddreg [dreg:$0x1]  }
0x9: {  	s1 =	rddreg [dreg:$0x2];
	_ =	strace $0x80000047  }
0xa: {  	s4 =	ssub.s32 $0x2, s4  }
0xb: {  	s5 =	sshrl.u32 s4, $0x1  }
0xc: {  	s6 =	simm.s32 $0x1;
	s7 =	simm.s32 $0x2080;
	s4 =	ssub.s32 s4, s5  }
0xd: {  	s8 =	simm.s32 $0x0;
	s5 =	simm.s32 $0x0;
	s4 =	smax.u32 s4, $0x1  }
.LBB2_2:
0xe: {  	[tilespmem:s5], [sflag:$0x1] =	stream.linear.gather [hbm4b:s2+s5], $0x2000, $0x38;
	[tilespmem:$0x2100] =	vst v63  }
0xf: {  	_ =	swait.ge [sflag:s6], $0x2000  }
0x10: {  	[sflag:s6] =	ssyncset.done $0x0  }
0x11: {  	s9 =	simm.s32 $0x0;
	[sflag:s6] =	ssyncadd.s32 $0xFFFFE000  }
0x12: {  	v0 =	vld [tilespmem:s9+$0x0];
	_ =	sdelay $0x2  }
0x13: {  	v2 =	vld [tilespmem:s9+$0x10]  }
0x14: {  	v1 =	vimm.f32 $0.0e+00  }
0x15: {  	v3 =	vadd.f32 v0, v1;
	v1 =	vld [tilespmem:s9+$0x20];
	_ =	sdelay $0x1  }
0x16: {  	v0 =	vld [tilespmem:s9+$0x30]  }
0x17: {  	s10 =	simm.s32 $0x200;
	s9 =	simm.s32 $0x40;
	v2 =	vadd.f32 v2, v3  }
.LBB2_3:
0x18: {  	p0 =	sne.s32 s10, $0x3F00;
	v3 =	vld [tilespmem:s9+$0x0]  }
0x19: {  	v1 =	vadd.f32 v1, v2  }
0x1a: {  	v2 =	vld [tilespmem:s9+$0x10]  }
.Ltmp1:
0x1b: {  	v0 =	vadd.f32 v0, v1;
	(pc) =	sbr.rel @p0 .LBB2_3-.Ltmp1, $4  }
0x1c: {  	v1 =	vld [tilespmem:s9+$0x20]  }
0x1d: {  	v3 =	vadd.f32 v3, v0  }
0x1e: {  	v0 =	vld [tilespmem:s9+$0x30]  }
0x1f: {  	s9 =	sshra.s32 s10, $0x2;
	s10 =	sadd.s32 $0x100, s10;
	v2 =	vadd.f32 v2, v3  }
0x20: {  	v3 =	vld [tilespmem:s9+$0x0]  }
0x21: {  	v1 =	vadd.f32 v1, v2  }
0x22: {  	v2 =	vld [tilespmem:s9+$0x10]  }
0x23: {  	v0 =	vadd.f32 v0, v1  }
0x24: {  	v1 =	vld [tilespmem:s9+$0x20]  }
0x25: {  	v0 =	vadd.f32 v3, v0  }
0x26: {  	v3 =	vld [tilespmem:s9+$0x30]  }
0x27: {  	v0 =	vadd.f32 v2, v0;
	_ =	sdelay $0x1  }
0x28: {  	v0 =	vadd.f32 v1, v0;
	_ =	sdelay $0x1  }
0x29: {  	v0 =	vadd.f32 v3, v0;
	_ =	sdelay $0x1  }
0x2a: {  	[tilespmem:$0x2000] =	vst v0  }
0x2b: {  	[tilespmem:$0x2010] =	vst v0  }
0x2c: {  	v1 =	vld [tilespmem:$0x2001];
	_ =	sdelay $0x4  }
0x2d: {  	v0 =	vadd.f32 v1, v0;
	_ =	sdelay $0x1  }
0x2e: {  	[tilespmem:$0x2000] =	vst v0  }
0x2f: {  	[tilespmem:$0x2010] =	vst v0  }
0x30: {  	v1 =	vld [tilespmem:$0x2002];
	_ =	sdelay $0x4  }
0x31: {  	v0 =	vadd.f32 v1, v0;
	_ =	sdelay $0x1  }
0x32: {  	[tilespmem:$0x2000] =	vst v0  }
0x33: {  	[tilespmem:$0x2010] =	vst v0  }
0x34: {  	v1 =	vld [tilespmem:$0x2004];
	_ =	sdelay $0x4  }
0x35: {  	v0 =	vadd.f32 v1, v0;
	_ =	sdelay $0x1  }
0x36: {  	[tilespmem:$0x2000] =	vst v0  }
0x37: {  	[tilespmem:$0x2010] =	vst v0  }
0x38: {  	v1 =	vld [tilespmem:$0x2008];
	_ =	sdelay $0x2  }
0x39: {  	s10 =	simm.s32 $0x0  }
0x3a: {  	v4 =	vld [tilespmem:s10+$0x0]  }
0x3b: {  	v0 =	vadd.f32 v1, v0  }
0x3c: {  	v2 =	vld [tilespmem:s10+$0x10]  }
0x3d: {  	v0 =	vmul.f32 $1.220703130e-03, v0  }
0x3e: {  	v3 =	vld [tilespmem:s10+$0x20]  }
0x3f: {  	vm0 =	vgt.f32 v4, v0  }
0x40: {  	v1 =	vimm.f32 $0.0e+00;
	v5 =	vnsel vm0, $0x0, v4;
	v4 =	vld [tilespmem:s10+$0x30]  }
0x41: {  	s11 =	simm.s32 $0x200;
	s9 =	simm.s32 $0x0;
	s10 =	simm.s32 $0x40;
	vm0 =	vgt.f32 v2, v0;
	v5 =	vadd.f32 v5, v1  }
.LBB2_5:
0x42: {  	p0 =	sne.s32 s11, $0x3F00;
	v6 =	vld [tilespmem:s10+$0x0];
	v2 =	vnsel vm0, $0x0, v2  }
0x43: {  	v5 =	vadd.f32 v2, v5;
	vm0 =	vgt.f32 v3, v0  }
0x44: {  	v2 =	vld [tilespmem:s10+$0x10];
	v3 =	vnsel vm0, $0x0, v3  }
.Ltmp2:
0x45: {  	v5 =	vadd.f32 v3, v5;
	vm0 =	vgt.f32 v4, v0;
	(pc) =	sbr.rel @p0 .LBB2_5-.Ltmp2, $4  }
0x46: {  	v3 =	vld [tilespmem:s10+$0x20];
	v4 =	vnsel vm0, $0x0, v4  }
0x47: {  	vm0 =	vgt.f32 v6, v0;
	v5 =	vadd.f32 v4, v5  }
0x48: {  	v6 =	vnsel vm0, $0x0, v6;
	v4 =	vld [tilespmem:s10+$0x30]  }
0x49: {  	s10 =	sshra.s32 s11, $0x2;
	s11 =	sadd.s32 $0x100, s11;
	v5 =	vadd.f32 v6, v5;
	vm0 =	vgt.f32 v2, v0  }
0x4a: {  	v6 =	vld [tilespmem:s10+$0x0];
	v2 =	vnsel vm0, $0x0, v2  }
0x4b: {  	v2 =	vadd.f32 v2, v5;
	vm10 =	vgt.f32 v3, v0  }
0x4c: {  	v5 =	vld [tilespmem:s10+$0x10];
	v3 =	vnsel vm10, $0x0, v3  }
0x4d: {  	v2 =	vadd.f32 v3, v2;
	vm11 =	vgt.f32 v4, v0  }
0x4e: {  	v3 =	vld [tilespmem:s10+$0x20];
	v4 =	vnsel vm11, $0x0, v4  }
0x4f: {  	s9 =	sand.u32 $0xFC0, s9;
	vm12 =	vgt.f32 v6, v0;
	v2 =	vadd.f32 v4, v2  }
0x50: {  	v7 =	vld [tilespmem:s9+$0x1000];
	v6 =	vnsel vm12, $0x0, v6  }
0x51: {  	v4 =	vld [tilespmem:s10+$0x30];
	vm13 =	vgt.f32 v5, v0;
	v2 =	vadd.f32 v6, v2  }
0x52: {  	s9 =	simm.s32 $0x1030;
	v5 =	vnsel vm13, $0x0, v5  }
0x53: {  	v63 =	vld [tilespmem:s9+$0xFFFFFFE0];
	vm14 =	vgt.f32 v3, v0;
	v2 =	vadd.f32 v5, v2  }
0x54: {  	v3 =	vnsel vm14, $0x0, v3  }
0x55: {  	v3 =	vadd.f32 v3, v2;
	v2 =	vld [tilespmem:s9+$0xFFFFFFF0]  }
0x56: {  	v5 =	vadd.f32 v7, v1;
	vm15 =	vgt.f32 v4, v0  }
0x57: {  	s31 =	simm.s32 $0x40;
	v1 =	vld [tilespmem:s9+$0x0];
	v0 =	vnsel vm15, $0x0, v4  }
0x58: {  	s11 =	sand.u32 $0xFC0, s31;
	s10 =	simm.s32 $0x80;
	v0 =	vadd.f32 v0, v3;
	v3 =	vadd.f32 v63, v5  }
.LBB2_7:
0x59: {  	p0 =	sne.s32 s10, $0xFC0;
	v4 =	vld [tilespmem:s11+$0x1000]  }
0x5a: {  	s9 =	sadd.s32 $0x40, s9;
	v2 =	vadd.f32 v2, v3  }
0x5b: {  	v3 =	vld [tilespmem:s9+$0xFFFFFFE0]  }
.Ltmp3:
0x5c: {  	v1 =	vadd.f32 v1, v2;
	(pc) =	sbr.rel @p0 .LBB2_7-.Ltmp3, $4  }
0x5d: {  	v2 =	vld [tilespmem:s9+$0xFFFFFFF0]  }
0x5e: {  	v4 =	vadd.f32 v4, v1  }
0x5f: {  	v1 =	vld [tilespmem:s9+$0x0]  }
0x60: {  	s11 =	sand.u32 $0xFC0, s10;
	s10 =	sadd.s32 $0x40, s10;
	v3 =	vadd.f32 v3, v4  }
0x61: {  	v4 =	vld [tilespmem:s11+$0x1000]  }
0x62: {  	s9 =	sadd.s32 $0x40, s9;
	v2 =	vadd.f32 v2, v3  }
0x63: {  	v3 =	vld [tilespmem:s9+$0xFFFFFFE0]  }
0x64: {  	v1 =	vadd.f32 v1, v2  }
0x65: {  	v2 =	vld [tilespmem:s9+$0xFFFFFFF0]  }
0x66: {  	v1 =	vadd.f32 v4, v1  }
0x67: {  	v4 =	vld [tilespmem:s9+$0x0]  }
0x68: {  	v1 =	vadd.f32 v3, v1;
	_ =	sdelay $0x1  }
0x69: {  	v1 =	vadd.f32 v2, v1;
	_ =	sdelay $0x1  }
0x6a: {  	v1 =	vadd.f32 v4, v1;
	_ =	sdelay $0x1  }
0x6b: {  	[tilespmem:$0x2000] =	vst v1  }
0x6c: {  	[tilespmem:$0x2010] =	vst v1  }
0x6d: {  	v2 =	vld [tilespmem:$0x2001];
	_ =	sdelay $0x4  }
0x6e: {  	v1 =	vadd.f32 v2, v1;
	_ =	sdelay $0x1  }
0x6f: {  	[tilespmem:$0x2000] =	vst v1  }
0x70: {  	[tilespmem:$0x2010] =	vst v1  }
0x71: {  	v2 =	vld [tilespmem:$0x2002];
	_ =	sdelay $0x4  }
0x72: {  	v1 =	vadd.f32 v2, v1;
	_ =	sdelay $0x1  }
0x73: {  	[tilespmem:$0x2000] =	vst v1  }
0x74: {  	[tilespmem:$0x2010] =	vst v1  }
0x75: {  	v2 =	vld [tilespmem:$0x2004];
	_ =	sdelay $0x4  }
0x76: {  	v1 =	vadd.f32 v2, v1;
	_ =	sdelay $0x1  }
0x77: {  	[tilespmem:$0x2000] =	vst v1  }
0x78: {  	[tilespmem:$0x2010] =	vst v1  }
0x79: {  	v2 =	vld [tilespmem:$0x2008];
	_ =	sdelay $0x1  }
0x7a: {  	s31 =	simm.s32 $0x0  }
0x7b: {  	s9 =	sand.u32 $0xFC0, s31  }
0x7c: {  	v5 =	vld [tilespmem:s9+$0x1000]  }
0x7d: {  	s9 =	simm.s32 $0x1030;
	v1 =	vadd.f32 v2, v1  }
0x7e: {  	v4 =	vld [tilespmem:s9+$0xFFFFFFE0]  }
0x7f: {  	v1 =	vmul.f32 $1.220703130e-03, v1  }
0x80: {  	v3 =	vld [tilespmem:s9+$0xFFFFFFF0]  }
0x81: {  	vm0 =	vgt.f32 v5, v1  }
0x82: {  	v6 =	vimm.f32 $0.0e+00;
	s10 =	simm.s32 $0x40;
	v2 =	vld [tilespmem:s9+$0x0];
	v5 =	vnsel vm0, $0x0, v5  }
0x83: {  	s11 =	sand.u32 $0xFC0, s10;
	s10 =	simm.s32 $0x80;
	vm0 =	vgt.f32 v4, v1;
	v5 =	vadd.f32 v5, v6  }
.LBB2_9:
0x84: {  	p0 =	sne.s32 s10, $0xFC0;
	v6 =	vld [tilespmem:s11+$0x1000];
	v4 =	vnsel vm0, $0x0, v4  }
0x85: {  	s9 =	sadd.s32 $0x40, s9;
	v5 =	vadd.f32 v4, v5;
	vm0 =	vgt.f32 v3, v1  }
0x86: {  	v4 =	vld [tilespmem:s9+$0xFFFFFFE0];
	v3 =	vnsel vm0, $0x0, v3  }
.Ltmp4:
0x87: {  	v5 =	vadd.f32 v3, v5;
	vm0 =	vgt.f32 v2, v1;
	(pc) =	sbr.rel @p0 .LBB2_9-.Ltmp4, $4  }
0x88: {  	v3 =	vld [tilespmem:s9+$0xFFFFFFF0];
	v2 =	vnsel vm0, $0x0, v2  }
0x89: {  	vm0 =	vgt.f32 v6, v1;
	v5 =	vadd.f32 v2, v5  }
0x8a: {  	v6 =	vnsel vm0, $0x0, v6;
	v2 =	vld [tilespmem:s9+$0x0]  }
0x8b: {  	s11 =	sand.u32 $0xFC0, s10;
	s10 =	sadd.s32 $0x40, s10;
	v5 =	vadd.f32 v6, v5;
	vm0 =	vgt.f32 v4, v1  }
0x8c: {  	v6 =	vld [tilespmem:s11+$0x1000];
	v4 =	vnsel vm0, $0x0, v4  }
0x8d: {  	s9 =	sadd.s32 $0x40, s9;
	v4 =	vadd.f32 v4, v5;
	vm10 =	vgt.f32 v3, v1  }
0x8e: {  	v54 =	vld [tilespmem:s9+$0xFFFFFFE0];
	v3 =	vnsel vm10, $0x0, v3  }
0x8f: {  	v3 =	vadd.f32 v3, v4;
	vm11 =	vgt.f32 v2, v1  }
0x90: {  	v55 =	vld [tilespmem:s9+$0xFFFFFFF0];
	v2 =	vnsel vm11, $0x0, v2  }
0x91: {  	vm12 =	vgt.f32 v6, v1;
	v2 =	vadd.f32 v2, v3  }
0x92: {  	v57 =	vld [tilespmem:s9+$0x0];
	v56 =	vnsel vm12, $0x0, v6  }
0x93: {  	vm13 =	vgt.f32 v54, v1;
	v2 =	vadd.f32 v56, v2  }
0x94: {  	v58 =	vnsel vm13, $0x0, v54  }
0x95: {  	vm14 =	vgt.f32 v55, v1;
	v2 =	vadd.f32 v58, v2  }
0x96: {  	v59 =	vnsel vm14, $0x0, v55  }
0x97: {  	vm15 =	vgt.f32 v57, v1;
	v2 =	vadd.f32 v59, v2  }
0x98: {  	v1 =	vnsel vm15, $0x0, v57  }
0x99: {  	v0 =	vadd.f32 $0.0e+00, v0;
	v1 =	vadd.f32 v1, v2;
	_ =	sdelay $0x1  }
0x9a: {  	v0 =	vadd.f32 v1, v0;
	_ =	sdelay $0x1  }
0x9b: {  	[tilespmem:$0x2000] =	vst v0  }
0x9c: {  	[tilespmem:$0x2010] =	vst v0  }
0x9d: {  	v60 =	vld [tilespmem:$0x2001];
	_ =	sdelay $0x4  }
0x9e: {  	v0 =	vadd.f32 v60, v0;
	_ =	sdelay $0x1  }
0x9f: {  	[tilespmem:$0x2000] =	vst v0  }
0xa0: {  	[tilespmem:$0x2010] =	vst v0  }
0xa1: {  	v61 =	vld [tilespmem:$0x2002];
	_ =	sdelay $0x4  }
0xa2: {  	v0 =	vadd.f32 v61, v0;
	_ =	sdelay $0x1  }
0xa3: {  	[tilespmem:$0x2000] =	vst v0  }
0xa4: {  	[tilespmem:$0x2010] =	vst v0  }
0xa5: {  	v62 =	vld [tilespmem:$0x2004];
	_ =	sdelay $0x4  }
0xa6: {  	v0 =	vadd.f32 v62, v0;
	_ =	sdelay $0x1  }
0xa7: {  	[tilespmem:$0x2000] =	vst v0  }
0xa8: {  	[tilespmem:$0x2010] =	vst v0  }
0xa9: {  	v63 =	vld [tilespmem:$0x2008];
	_ =	sdelay $0x4  }
0xaa: {  	s8 =	sadd.s32 $0x1, s8;
	v0 =	vadd.f32 v63, v0  }
0xab: {  	p0 =	sne.s32 s8, s4  }
.Ltmp5:
0xac: {  	[tilespmem:$0x2080] =	vst v0;
	(pc) =	sbr.rel @p0 .LBB2_2-.Ltmp5, $4  }
0xad: {  	[hbm4b:s3+s5] =	stream.linear.scatter [tilespmem:s7], [sflag:$0x1], $0x80, $0x38;
	[tilespmem:$0x2100] =	vst v63  }
0xae: {  	_ =	swait.ge [sflag:s6], $0x80  }
0xaf: {  	[sflag:s6] =	ssyncset.done $0x0  }
0xb0: {  	[sflag:s6] =	ssyncadd.s32 $0xFFFFFF80  }
.LBB2_11:
0xb1: {  	_ =	sfence.sel $0x180000  }
0xb2: {  	[bflag:$0x0] =	sbarrier.arrive $0xFFFF  }
0xb3: {  	p0 =	sne.s32 s0, $0x0;
	_ =	strace $0x90000047  }
0xb4: {  	s0 =	sadd.s32 @!p0 $0x100000, s1;
	[bflag:$0x2] =	sbarrier.arrive $0xFFFF  }
0xb5: {  	[sflag:s0] =	ssyncadd.tile.s32 @!p0 $0x1;
	_ =	shalt  }
.Lfunc_end2:
_tile_overlayer_lowered:
.L_overlay_start_2:
0xb6: {  	(tag) =	ssettag $0x2  }
0xb7: {  	s0 =	rddreg [dreg:$0x0];
	s2 =	stileid.u32  }
0xb8: {  	s1 =	rddreg [dreg:$0x1];
	p0 =	sne.s32 s2, $0x0  }
0xb9: {  	s3 =	rddreg [dreg:$0x2];
	[bflag:$0x3] =	sbarrier.arrive $0xFFFF;
	s2 =	simm.s32 @!p0 $0x1C01  }
0xba: {  	[timem:s3], [sflag:s2] =	dma.local @!p0 [hbm:s0], s1  }
0xbb: {  	s0 =	simm.s32 @!p0 $0x1  }
0xbc: {  	_ =	swait.ge @!p0 [sflag:s0], s1  }
0xbd: {  	s1 =	ssub.s32 @!p0 $0x0, s1;
	[sflag:s0] =	ssyncset.done @!p0 $0x0  }
0xbe: {  	[sflag:s0] =	ssyncadd.s32 @!p0 s1  }
0xbf: {  	[bflag:$0x3] =	sbarrier.arrive $0xFFFF  }
0xc0: {  	_ =	shalt  }

</sc_bundles>
